<compile_context>
chip_gen: v7x
topology: tpu7x:2x2x1
jax: 0.10.2.dev20260603
libtpu: 0.0.44.dev20260713+nightly
codegen_flags: <defaults>
</compile_context>

<pallas_src>
import functools

import jax
import jax.numpy as jnp
from jax import lax
from jax.experimental import pallas as pl
from jax.experimental.pallas import tpu as pltpu
from jax.experimental.pallas import tpu_sc as plsc

DIM = 768
E = 64
DFF = 768
T = 2048
CAP = 40
SLOTS = E * CAP
NC = 2
NS = 16
NW = NC * NS
SPW = SLOTS // NW
TPW = T // NW
SLOTS_PAD = 2576



def _route_body(tok_ref, gw_ref, slot_ref, wt_ref, laux_ref):
    g = gw_ref[...]
    logits = lax.dot_general(g, tok_ref[...], (((1,), (1,)), ((), ())),
                             preferred_element_type=jnp.float32)
    m = jnp.max(logits, axis=0, keepdims=True)
    ex = jnp.exp(logits - m)
    probs = ex / jnp.sum(ex, axis=0, keepdims=True)
    pmax = jnp.max(probs, axis=0, keepdims=True)
    iota_e = lax.broadcasted_iota(jnp.int32, (E, T), 0)
    cand = jnp.where(probs == pmax, iota_e, jnp.int32(E))
    top1 = jnp.min(cand, axis=0, keepdims=True)
    mask = (iota_e == top1).astype(jnp.float32)
    c = mask
    shift = 1
    while shift < T:
        c = c + jnp.concatenate(
            [jnp.zeros((E, shift), jnp.float32), c[:, :T - shift]], axis=1)
        shift *= 2
    rank = jnp.sum((c - 1.0) * mask, axis=0)
    kept = rank < float(CAP)
    wsel = jnp.sum(probs * mask, axis=0)
    slot = jnp.where(kept,
                     jnp.min(cand, axis=0) * CAP + rank.astype(jnp.int32),
                     jnp.int32(SLOTS))
    me = jnp.sum(probs, axis=1, keepdims=True) / float(T)
    ce = jnp.sum(mask, axis=1, keepdims=True) / float(T)
    laux_ref[...] = float(E) * jnp.sum(me * ce, axis=0, keepdims=True)
    slot_ref[...] = slot
    wt_ref[...] = wsel


def _route(tokens, gate_weight):
    return pl.pallas_call(
        _route_body,
        out_shape=(
            jax.ShapeDtypeStruct((T,), jnp.int32),
            jax.ShapeDtypeStruct((T,), jnp.float32),
            jax.ShapeDtypeStruct((1, 1), jnp.float32),
        ),
    )(tokens, gate_weight)



_UNROLL = 8
_DCH = 2
_DSZ = SPW // _DCH


def _dispatch_body(tok_hbm, slot_hbm, wt_hbm, disp_hbm, swt_hbm,
                   slot_v, wt_v, s2t_v, sw_v,
                   rows0_v, rows1_v,
                   sem0, sem1, semw):
    wid = lax.axis_index("s") * NC + lax.axis_index("c")
    base = wid * SPW
    lw = pltpu.async_copy(wt_hbm, wt_v, semw)
    pltpu.sync_copy(slot_hbm, slot_v)

    for i in range(SPW // 16):
        s2t_v[pl.ds(base + i * 16, 16)] = (
            (lax.iota(jnp.int32, 16) + (base + i * 16)) & (T - 1))

    def scatter(i, _):
        for j in range(_UNROLL):
            k = i * _UNROLL + j
            idx = slot_v[pl.ds(k * 16, 16)]
            plsc.store_scatter(s2t_v, [idx],
                               lax.iota(jnp.int32, 16) + k * 16)
        return 0

    lax.fori_loop(0, T // 16 // _UNROLL, scatter, 0)

    rows = (rows0_v, rows1_v)
    sems = (sem0, sem1)
    gs = [pltpu.async_copy(
            tok_hbm.at[s2t_v.at[pl.ds(base + i * _DSZ, _DSZ)]],
            rows[i], sems[i])
          for i in range(_DCH)]
    lw.wait()
    for i in range(SPW // 16):
        idx = s2t_v[pl.ds(base + i * 16, 16)]
        sw_v[pl.ds(i * 16, 16)] = plsc.load_gather(wt_v, [idx])
    pltpu.sync_copy(sw_v, swt_hbm.at[pl.ds(base, SPW)])
    ws = []
    for i in range(_DCH):
        gs[i].wait()
        ws.append(pltpu.async_copy(
            rows[i], disp_hbm.at[pl.ds(base + i * _DSZ, _DSZ)], sems[i]))
    for w in ws:
        w.wait()


@functools.lru_cache(maxsize=None)
def _dispatch_kernel():
    return pl.kernel(
        _dispatch_body,
        out_type=(
            jax.ShapeDtypeStruct((SLOTS, DIM), jnp.float32),
            jax.ShapeDtypeStruct((SLOTS,), jnp.float32),
        ),
        mesh=plsc.VectorSubcoreMesh(core_axis_name="c", subcore_axis_name="s",
                                    num_cores=NC, num_subcores=NS),
        scratch_types=(
            pltpu.VMEM((T,), jnp.int32),
            pltpu.VMEM((T,), jnp.float32),
            pltpu.VMEM((SLOTS_PAD,), jnp.int32),
            pltpu.VMEM((SPW,), jnp.float32),
            pltpu.VMEM((_DSZ, DIM), jnp.float32),
            pltpu.VMEM((_DSZ, DIM), jnp.float32),
            pltpu.SemaphoreType.DMA,
            pltpu.SemaphoreType.DMA,
            pltpu.SemaphoreType.DMA,
        ),
        compiler_params=pltpu.CompilerParams(needs_layout_passes=False),
    )



_EB = 2
_NSTEP = E // _EB + 1


def _ffn_body(disp_ref, w1_ref, b1_ref, w2_ref, b2_ref, swt_ref, out_ref):
    g = pl.program_id(0)

    @pl.when(g < E // _EB)
    def _():
        for j in range(_EB):
            x = disp_ref[pl.ds(j * CAP, CAP), :]
            h = lax.dot_general(x, w1_ref[j], (((1,), (0,)), ((), ())),
                                preferred_element_type=jnp.float32)
            h = jnp.maximum(h + b1_ref[pl.ds(g * _EB + j, 1), :], 0.0)
            y = lax.dot_general(h, w2_ref[j], (((1,), (0,)), ((), ())),
                                preferred_element_type=jnp.float32)
            y = y + b2_ref[pl.ds(g * _EB + j, 1), :]
            sbase = (g * _EB + j) * CAP
            for r in range(CAP):
                out_ref[pl.ds(j * CAP + r, 1), :] = (
                    y[r:r + 1, :] * swt_ref[sbase + r])

    @pl.when(g == E // _EB)
    def _():
        out_ref[...] = jnp.zeros((_EB * CAP, DIM), jnp.float32)


def _ffn(disp, w1, b1, w2, b2, slot_weight):
    clamp3 = lambda g: (jnp.minimum(g, E // _EB - 1), 0, 0)
    clamp2 = lambda g: (jnp.minimum(g, E // _EB - 1), 0)
    return pl.pallas_call(
        _ffn_body,
        grid=(_NSTEP,),
        in_specs=[
            pl.BlockSpec((_EB * CAP, DIM), clamp2),
            pl.BlockSpec((_EB, DIM, DFF), clamp3),
            pl.BlockSpec((E, DFF), lambda g: (0, 0)),
            pl.BlockSpec((_EB, DFF, DIM), clamp3),
            pl.BlockSpec((E, DIM), lambda g: (0, 0)),
            pl.BlockSpec(memory_space=pltpu.SMEM),
        ],
        out_specs=pl.BlockSpec((_EB * CAP, DIM), lambda g: (g, 0)),
        out_shape=jax.ShapeDtypeStruct((SLOTS + _EB * CAP, DIM), jnp.float32),
    )(disp, w1, b1, w2, b2, slot_weight)



_NCHUNK = 4
_CSZ = TPW // _NCHUNK


def _combine_body(eo_hbm, slot_hbm, out_hbm, idx_v,
                  rows0_v, rows1_v, rows2_v, rows3_v,
                  sem0, sem1, sem2, sem3):
    wid = lax.axis_index("s") * NC + lax.axis_index("c")
    base = wid * TPW
    pltpu.sync_copy(slot_hbm.at[pl.ds(base, TPW)], idx_v)
    rows = (rows0_v, rows1_v, rows2_v, rows3_v)
    sems = (sem0, sem1, sem2, sem3)
    gs = [pltpu.async_copy(eo_hbm.at[idx_v.at[pl.ds(i * _CSZ, _CSZ)]],
                           rows[i], sems[i])
          for i in range(_NCHUNK)]
    ws = []
    for i in range(_NCHUNK):
        gs[i].wait()
        ws.append(pltpu.async_copy(
            rows[i], out_hbm.at[pl.ds(base + i * _CSZ, _CSZ)], sems[i]))
    for w in ws:
        w.wait()


@functools.lru_cache(maxsize=None)
def _combine_kernel():
    return pl.kernel(
        _combine_body,
        out_type=jax.ShapeDtypeStruct((T, DIM), jnp.float32),
        mesh=plsc.VectorSubcoreMesh(core_axis_name="c", subcore_axis_name="s",
                                    num_cores=NC, num_subcores=NS),
        scratch_types=(
            pltpu.VMEM((TPW,), jnp.int32),
            pltpu.VMEM((_CSZ, DIM), jnp.float32),
            pltpu.VMEM((_CSZ, DIM), jnp.float32),
            pltpu.VMEM((_CSZ, DIM), jnp.float32),
            pltpu.VMEM((_CSZ, DIM), jnp.float32),
            pltpu.SemaphoreType.DMA,
            pltpu.SemaphoreType.DMA,
            pltpu.SemaphoreType.DMA,
            pltpu.SemaphoreType.DMA,
        ),
        compiler_params=pltpu.CompilerParams(needs_layout_passes=False),
    )



def kernel(inputs, gate_weight, w1, b1, w2, b2):
    tokens = inputs.reshape(T, DIM)
    token_slot, token_wt, laux = _route(tokens, gate_weight)
    disp, slot_weight = _dispatch_kernel()(tokens, token_slot, token_wt)
    eo = _ffn(disp, w1, b1, w2, b2, slot_weight)
    ans = _combine_kernel()(eo, token_slot)
    return ans.reshape(inputs.shape), laux.reshape(())

# --- scband reference (transcript-rebuilt; emitter-appended) ---
"""Pipeline reference for scband-moe-module-19000935318065 (READ-ONLY COPY).

The authoritative reference and input builder live on the scoring server;
editing this copy changes nothing except your own understanding.
"""

import jax, jax.numpy as jnp
import numpy as np

DIM = 768
E = 64
DFF = 768
CAP_FACTOR = 1.25
MIN_CAP = 4
BATCH = 1
SEQ = 2048


def setup_inputs(seed: int = 0) -> dict:
    key = jax.random.key(seed)
    ks = jax.random.split(key, 6)
    inputs = jax.random.normal(ks[0], (BATCH, SEQ, DIM), dtype=jnp.float32)
    std = float(np.sqrt(0.1 / DIM))
    gate_weight = jax.random.normal(ks[1], (E, DIM), dtype=jnp.float32) * std
    w1 = jax.random.normal(ks[2], (E, DIM, DFF), dtype=jnp.float32) * float(np.sqrt(2.0 / DIM))
    b1 = jnp.zeros((E, DFF), dtype=jnp.float32)
    w2 = jax.random.normal(ks[3], (E, DFF, DIM), dtype=jnp.float32) * float(np.sqrt(2.0 / DFF))
    b2 = jnp.zeros((E, DIM), dtype=jnp.float32)
    return {"inputs": inputs, "gate_weight": gate_weight, "w1": w1, "b1": b1, "w2": w2, "b2": b2}


def _top1_route(gate_logits, capacity):
    # Faithful Top1Router (no-kernel path): softmax gate, argmax dispatch,
    # capacity-based token dropping, aux load-balancing loss.
    probs = jax.nn.softmax(gate_logits, axis=-1)
    num_tokens, num_experts = probs.shape
    top1_idx = jnp.argmax(probs, axis=-1)
    mask = jax.nn.one_hot(top1_idx, num_experts, dtype=jnp.int32)  # [T, E]
    me = jnp.mean(probs, axis=0)
    ce = jnp.mean(mask.astype(jnp.float32), axis=0)
    l_aux = num_experts * jnp.sum(me * ce)
    # rank of each token within its chosen expert (0-based)
    ranks = (jnp.cumsum(mask, axis=0) - 1) * mask  # [T, E]
    keep = (ranks < capacity).astype(jnp.int32)
    mask = mask * keep  # drop tokens beyond capacity
    loc = jnp.sum(ranks * mask, axis=1)  # [T] slot within expert buffer
    weight = probs * mask.astype(probs.dtype)  # gate prob at selected expert
    loc_oh = jax.nn.one_hot(loc, capacity, dtype=probs.dtype)  # [T, C]
    cb_weight = weight[:, :, None] * loc_oh[:, None, :]  # [T, E, C]
    sec_mask = (cb_weight > 0).astype(probs.dtype)  # [T, E, C]
    return cb_weight, sec_mask, l_aux


def reference(inputs, gate_weight, w1, b1, w2, b2):
    tokens = inputs.reshape(-1, DIM)  # [T, d]
    num_tokens = tokens.shape[0]
    capacity = max(MIN_CAP, int(CAP_FACTOR * num_tokens / E))
    # fp32 gating (F.linear with gate_weight [E, d])
    gate_output = tokens.astype(jnp.float32) @ gate_weight.astype(jnp.float32).T  # [T, E]
    cb_weight, sec_mask, l_aux = _top1_route(gate_output, capacity)
    # dispatch: sec_mask.permute(1,2,0) @ tokens -> [E, C, d]
    dispatch = jnp.einsum('tec,td->ecd', sec_mask, tokens)
    # per-expert FFN (Experts): relu(x W1 + b1) W2 + b2
    h = jax.nn.relu(jnp.einsum('ecd,edf->ecf', dispatch, w1) + b1[:, None, :])
    expert_out = jnp.einsum('ecf,efd->ecd', h, w2) + b2[:, None, :]
    # combine: combine_weights [T, E*C] @ expert_out [E*C, d]
    cw = cb_weight.reshape(num_tokens, -1)
    eo = expert_out.reshape(-1, DIM)
    ans = cw @ eo
    ans = ans.reshape(inputs.shape)
    return ans, l_aux

if __name__ == "__main__":
    import jax
    _d = setup_inputs()
    print(jax.jit(kernel)(*tuple(_d.values())))

</pallas_src>

<mosaic_0001>
#map = affine_map<(d0, d1) -> (0, 0)>
#map1 = affine_map<(d0, d1) -> (0)>
module attributes {stable_mosaic.version = 14 : i64} {
  func.func @_combine_body(%arg0: i32, %arg1: i32, %arg2: memref<2640x768xf32, #tpu.memory_space<hbm>>, %arg3: memref<2048xi32, #tpu.memory_space<hbm>>, %arg4: memref<2048x768xf32, #tpu.memory_space<hbm>>, %arg5: memref<64xi32, #tpu.memory_space<vmem>>, %arg6: memref<16x768xf32, #tpu.memory_space<vmem>>, %arg7: memref<16x768xf32, #tpu.memory_space<vmem>>, %arg8: memref<16x768xf32, #tpu.memory_space<vmem>>, %arg9: memref<16x768xf32, #tpu.memory_space<vmem>>, %arg10: memref<!tpu.dma_semaphore, #tpu.memory_space<semaphore_mem>>, %arg11: memref<!tpu.dma_semaphore, #tpu.memory_space<semaphore_mem>>, %arg12: memref<!tpu.dma_semaphore, #tpu.memory_space<semaphore_mem>>, %arg13: memref<!tpu.dma_semaphore, #tpu.memory_space<semaphore_mem>>) attributes {dimension_semantics = [#tpu.dimension_semantics<core_parallel>, #tpu.dimension_semantics<subcore_parallel>], iteration_bounds = array<i64: 2, 16>, scalar_prefetch = 0 : i64, scratch_operands = 9 : i64, tpu.core_type = #tpu.core_type<sc_vector_subcore>, window_params = [{transform_indices = #map}, {transform_indices = #map1}, {transform_indices = #map}]} {
    %mul3A = arith.constant 2 : i32
    %mul3A_0 = arith.muli %arg1, %mul3A : i32
    %add3A = arith.addi %mul3A_0, %arg0 : i32
    %mul3A_1 = arith.constant 64 : i32
    %mul3A_2 = arith.muli %add3A, %mul3A_1 : i32
    "tpu.region"() ({
      %run_scoped3A = tpu.sem_alloc : memref<!tpu.dma_semaphore, #tpu.memory_space<semaphore_mem>>
      %dma_start3A_81 = tpu.memref_slice %arg3[%mul3A_2] : memref<2048xi32, #tpu.memory_space<hbm>> -> memref<64xi32, #tpu.memory_space<hbm>>
      %dma_start3A_82 = tpu.memref_slice %arg3[%mul3A_2] : memref<2048xi32, #tpu.memory_space<hbm>> -> memref<64xi32, #tpu.memory_space<hbm>>
      tpu.enqueue_dma source(%dma_start3A_82 : memref<64xi32, #tpu.memory_space<hbm>>) target(%arg5 : memref<64xi32, #tpu.memory_space<vmem>>) target_semaphore(%run_scoped3A : memref<!tpu.dma_semaphore, #tpu.memory_space<semaphore_mem>>)
      %dma_wait3A_83 = tpu.memref_slice %arg3[%mul3A_2] : memref<2048xi32, #tpu.memory_space<hbm>> -> memref<64xi32, #tpu.memory_space<hbm>>
      %dma_wait3A_84 = tpu.memref_slice %arg3[%mul3A_2] : memref<2048xi32, #tpu.memory_space<hbm>> -> memref<64xi32, #tpu.memory_space<hbm>>
      tpu.wait_dma2 semaphore(%run_scoped3A : memref<!tpu.dma_semaphore, #tpu.memory_space<semaphore_mem>>) src(%dma_wait3A_84 : memref<64xi32, #tpu.memory_space<hbm>>) dst(%arg5 : memref<64xi32, #tpu.memory_space<vmem>>)
      tpu.yield
    }) : () -> ()
    %dma_start3A = arith.constant 0 : i32
    %dma_start3A_3 = tpu.memref_slice %arg5[%dma_start3A] : memref<64xi32, #tpu.memory_space<vmem>> -> memref<16xi32, #tpu.memory_space<vmem>>
    %dma_start3A_4 = arith.constant 0 : i32
    %dma_start3A_5 = arith.constant 0 : i32
    %dma_start3A_6 = tpu.memref_slice %arg2[%dma_start3A_4, %dma_start3A_5] : memref<2640x768xf32, #tpu.memory_space<hbm>> -> memref<2640x768xf32, #tpu.memory_space<hbm>>
    tpu.enqueue_indirect_dma source(%dma_start3A_6 : memref<2640x768xf32, #tpu.memory_space<hbm>>) target(%arg6 : memref<16x768xf32, #tpu.memory_space<vmem>>) offsets(%dma_start3A_3 : memref<16xi32, #tpu.memory_space<vmem>>) semaphore(%arg10 : memref<!tpu.dma_semaphore, #tpu.memory_space<semaphore_mem>>)
    %dma_start3A_7 = arith.constant 16 : i32
    %dma_start3A_8 = tpu.memref_slice %arg5[%dma_start3A_7] : memref<64xi32, #tpu.memory_space<vmem>> -> memref<16xi32, #tpu.memory_space<vmem>>
    %dma_start3A_9 = arith.constant 0 : i32
    %dma_start3A_10 = arith.constant 0 : i32
    %dma_start3A_11 = tpu.memref_slice %arg2[%dma_start3A_9, %dma_start3A_10] : memref<2640x768xf32, #tpu.memory_space<hbm>> -> memref<2640x768xf32, #tpu.memory_space<hbm>>
    tpu.enqueue_indirect_dma source(%dma_start3A_11 : memref<2640x768xf32, #tpu.memory_space<hbm>>) target(%arg7 : memref<16x768xf32, #tpu.memory_space<vmem>>) offsets(%dma_start3A_8 : memref<16xi32, #tpu.memory_space<vmem>>) semaphore(%arg11 : memref<!tpu.dma_semaphore, #tpu.memory_space<semaphore_mem>>)
    %dma_start3A_12 = arith.constant 32 : i32
    %dma_start3A_13 = tpu.memref_slice %arg5[%dma_start3A_12] : memref<64xi32, #tpu.memory_space<vmem>> -> memref<16xi32, #tpu.memory_space<vmem>>
    %dma_start3A_14 = arith.constant 0 : i32
    %dma_start3A_15 = arith.constant 0 : i32
    %dma_start3A_16 = tpu.memref_slice %arg2[%dma_start3A_14, %dma_start3A_15] : memref<2640x768xf32, #tpu.memory_space<hbm>> -> memref<2640x768xf32, #tpu.memory_space<hbm>>
    tpu.enqueue_indirect_dma source(%dma_start3A_16 : memref<2640x768xf32, #tpu.memory_space<hbm>>) target(%arg8 : memref<16x768xf32, #tpu.memory_space<vmem>>) offsets(%dma_start3A_13 : memref<16xi32, #tpu.memory_space<vmem>>) semaphore(%arg12 : memref<!tpu.dma_semaphore, #tpu.memory_space<semaphore_mem>>)
    %dma_start3A_17 = arith.constant 48 : i32
    %dma_start3A_18 = tpu.memref_slice %arg5[%dma_start3A_17] : memref<64xi32, #tpu.memory_space<vmem>> -> memref<16xi32, #tpu.memory_space<vmem>>
    %dma_start3A_19 = arith.constant 0 : i32
    %dma_start3A_20 = arith.constant 0 : i32
    %dma_start3A_21 = tpu.memref_slice %arg2[%dma_start3A_19, %dma_start3A_20] : memref<2640x768xf32, #tpu.memory_space<hbm>> -> memref<2640x768xf32, #tpu.memory_space<hbm>>
    tpu.enqueue_indirect_dma source(%dma_start3A_21 : memref<2640x768xf32, #tpu.memory_space<hbm>>) target(%arg9 : memref<16x768xf32, #tpu.memory_space<vmem>>) offsets(%dma_start3A_18 : memref<16xi32, #tpu.memory_space<vmem>>) semaphore(%arg13 : memref<!tpu.dma_semaphore, #tpu.memory_space<semaphore_mem>>)
    %dma_wait3A = arith.constant 0 : i32
    %dma_wait3A_22 = tpu.memref_slice %arg5[%dma_wait3A] : memref<64xi32, #tpu.memory_space<vmem>> -> memref<16xi32, #tpu.memory_space<vmem>>
    %dma_wait3A_23 = arith.constant 0 : i32
    %dma_wait3A_24 = arith.constant 0 : i32
    %dma_wait3A_25 = tpu.memref_slice %arg2[%dma_wait3A_23, %dma_wait3A_24] : memref<2640x768xf32, #tpu.memory_space<hbm>> -> memref<2640x768xf32, #tpu.memory_space<hbm>>
    tpu.wait_indirect_dma semaphore(%arg10 : memref<!tpu.dma_semaphore, #tpu.memory_space<semaphore_mem>>) src(%dma_wait3A_25 : memref<2640x768xf32, #tpu.memory_space<hbm>>) dst(%arg6 : memref<16x768xf32, #tpu.memory_space<vmem>>)
    %add3A_26 = arith.constant 0 : i32
    %add3A_27 = arith.addi %mul3A_2, %add3A_26 : i32
    %dma_start3A_28 = arith.constant 0 : i32
    %dma_start3A_29 = tpu.memref_slice %arg4[%add3A_27, %dma_start3A_28] : memref<2048x768xf32, #tpu.memory_space<hbm>> -> memref<16x768xf32, #tpu.memory_space<hbm>>
    %dma_start3A_30 = arith.constant 0 : i32
    %dma_start3A_31 = tpu.memref_slice %arg4[%add3A_27, %dma_start3A_30] : memref<2048x768xf32, #tpu.memory_space<hbm>> -> memref<16x768xf32, #tpu.memory_space<hbm>>
    tpu.enqueue_dma source(%arg6 : memref<16x768xf32, #tpu.memory_space<vmem>>) target(%dma_start3A_31 : memref<16x768xf32, #tpu.memory_space<hbm>>) target_semaphore(%arg10 : memref<!tpu.dma_semaphore, #tpu.memory_space<semaphore_mem>>)
    %dma_wait3A_32 = arith.constant 16 : i32
    %dma_wait3A_33 = tpu.memref_slice %arg5[%dma_wait3A_32] : memref<64xi32, #tpu.memory_space<vmem>> -> memref<16xi32, #tpu.memory_space<vmem>>
    %dma_wait3A_34 = arith.constant 0 : i32
    %dma_wait3A_35 = arith.constant 0 : i32
    %dma_wait3A_36 = tpu.memref_slice %arg2[%dma_wait3A_34, %dma_wait3A_35] : memref<2640x768xf32, #tpu.memory_space<hbm>> -> memref<2640x768xf32, #tpu.memory_space<hbm>>
    tpu.wait_indirect_dma semaphore(%arg11 : memref<!tpu.dma_semaphore, #tpu.memory_space<semaphore_mem>>) src(%dma_wait3A_36 : memref<2640x768xf32, #tpu.memory_space<hbm>>) dst(%arg7 : memref<16x768xf32, #tpu.memory_space<vmem>>)
    %add3A_37 = arith.constant 16 : i32
    %add3A_38 = arith.addi %mul3A_2, %add3A_37 : i32
    %dma_start3A_39 = arith.constant 0 : i32
    %dma_start3A_40 = tpu.memref_slice %arg4[%add3A_38, %dma_start3A_39] : memref<2048x768xf32, #tpu.memory_space<hbm>> -> memref<16x768xf32, #tpu.memory_space<hbm>>
    %dma_start3A_41 = arith.constant 0 : i32
    %dma_start3A_42 = tpu.memref_slice %arg4[%add3A_38, %dma_start3A_41] : memref<2048x768xf32, #tpu.memory_space<hbm>> -> memref<16x768xf32, #tpu.memory_space<hbm>>
    tpu.enqueue_dma source(%arg7 : memref<16x768xf32, #tpu.memory_space<vmem>>) target(%dma_start3A_42 : memref<16x768xf32, #tpu.memory_space<hbm>>) target_semaphore(%arg11 : memref<!tpu.dma_semaphore, #tpu.memory_space<semaphore_mem>>)
    %dma_wait3A_43 = arith.constant 32 : i32
    %dma_wait3A_44 = tpu.memref_slice %arg5[%dma_wait3A_43] : memref<64xi32, #tpu.memory_space<vmem>> -> memref<16xi32, #tpu.memory_space<vmem>>
    %dma_wait3A_45 = arith.constant 0 : i32
    %dma_wait3A_46 = arith.constant 0 : i32
    %dma_wait3A_47 = tpu.memref_slice %arg2[%dma_wait3A_45, %dma_wait3A_46] : memref<2640x768xf32, #tpu.memory_space<hbm>> -> memref<2640x768xf32, #tpu.memory_space<hbm>>
    tpu.wait_indirect_dma semaphore(%arg12 : memref<!tpu.dma_semaphore, #tpu.memory_space<semaphore_mem>>) src(%dma_wait3A_47 : memref<2640x768xf32, #tpu.memory_space<hbm>>) dst(%arg8 : memref<16x768xf32, #tpu.memory_space<vmem>>)
    %add3A_48 = arith.constant 32 : i32
    %add3A_49 = arith.addi %mul3A_2, %add3A_48 : i32
    %dma_start3A_50 = arith.constant 0 : i32
    %dma_start3A_51 = tpu.memref_slice %arg4[%add3A_49, %dma_start3A_50] : memref<2048x768xf32, #tpu.memory_space<hbm>> -> memref<16x768xf32, #tpu.memory_space<hbm>>
    %dma_start3A_52 = arith.constant 0 : i32
    %dma_start3A_53 = tpu.memref_slice %arg4[%add3A_49, %dma_start3A_52] : memref<2048x768xf32, #tpu.memory_space<hbm>> -> memref<16x768xf32, #tpu.memory_space<hbm>>
    tpu.enqueue_dma source(%arg8 : memref<16x768xf32, #tpu.memory_space<vmem>>) target(%dma_start3A_53 : memref<16x768xf32, #tpu.memory_space<hbm>>) target_semaphore(%arg12 : memref<!tpu.dma_semaphore, #tpu.memory_space<semaphore_mem>>)
    %dma_wait3A_54 = arith.constant 48 : i32
    %dma_wait3A_55 = tpu.memref_slice %arg5[%dma_wait3A_54] : memref<64xi32, #tpu.memory_space<vmem>> -> memref<16xi32, #tpu.memory_space<vmem>>
    %dma_wait3A_56 = arith.constant 0 : i32
    %dma_wait3A_57 = arith.constant 0 : i32
    %dma_wait3A_58 = tpu.memref_slice %arg2[%dma_wait3A_56, %dma_wait3A_57] : memref<2640x768xf32, #tpu.memory_space<hbm>> -> memref<2640x768xf32, #tpu.memory_space<hbm>>
    tpu.wait_indirect_dma semaphore(%arg13 : memref<!tpu.dma_semaphore, #tpu.memory_space<semaphore_mem>>) src(%dma_wait3A_58 : memref<2640x768xf32, #tpu.memory_space<hbm>>) dst(%arg9 : memref<16x768xf32, #tpu.memory_space<vmem>>)
    %add3A_59 = arith.constant 48 : i32
    %add3A_60 = arith.addi %mul3A_2, %add3A_59 : i32
    %dma_start3A_61 = arith.constant 0 : i32
    %dma_start3A_62 = tpu.memref_slice %arg4[%add3A_60, %dma_start3A_61] : memref<2048x768xf32, #tpu.memory_space<hbm>> -> memref<16x768xf32, #tpu.memory_space<hbm>>
    %dma_start3A_63 = arith.constant 0 : i32
    %dma_start3A_64 = tpu.memref_slice %arg4[%add3A_60, %dma_start3A_63] : memref<2048x768xf32, #tpu.memory_space<hbm>> -> memref<16x768xf32, #tpu.memory_space<hbm>>
    tpu.enqueue_dma source(%arg9 : memref<16x768xf32, #tpu.memory_space<vmem>>) target(%dma_start3A_64 : memref<16x768xf32, #tpu.memory_space<hbm>>) target_semaphore(%arg13 : memref<!tpu.dma_semaphore, #tpu.memory_space<semaphore_mem>>)
    %dma_wait3A_65 = arith.constant 0 : i32
    %dma_wait3A_66 = tpu.memref_slice %arg4[%add3A_27, %dma_wait3A_65] : memref<2048x768xf32, #tpu.memory_space<hbm>> -> memref<16x768xf32, #tpu.memory_space<hbm>>
    %dma_wait3A_67 = arith.constant 0 : i32
    %dma_wait3A_68 = tpu.memref_slice %arg4[%add3A_27, %dma_wait3A_67] : memref<2048x768xf32, #tpu.memory_space<hbm>> -> memref<16x768xf32, #tpu.memory_space<hbm>>
    tpu.wait_dma2 semaphore(%arg10 : memref<!tpu.dma_semaphore, #tpu.memory_space<semaphore_mem>>) src(%arg6 : memref<16x768xf32, #tpu.memory_space<vmem>>) dst(%dma_wait3A_68 : memref<16x768xf32, #tpu.memory_space<hbm>>)
    %dma_wait3A_69 = arith.constant 0 : i32
    %dma_wait3A_70 = tpu.memref_slice %arg4[%add3A_38, %dma_wait3A_69] : memref<2048x768xf32, #tpu.memory_space<hbm>> -> memref<16x768xf32, #tpu.memory_space<hbm>>
    %dma_wait3A_71 = arith.constant 0 : i32
    %dma_wait3A_72 = tpu.memref_slice %arg4[%add3A_38, %dma_wait3A_71] : memref<2048x768xf32, #tpu.memory_space<hbm>> -> memref<16x768xf32, #tpu.memory_space<hbm>>
    tpu.wait_dma2 semaphore(%arg11 : memref<!tpu.dma_semaphore, #tpu.memory_space<semaphore_mem>>) src(%arg7 : memref<16x768xf32, #tpu.memory_space<vmem>>) dst(%dma_wait3A_72 : memref<16x768xf32, #tpu.memory_space<hbm>>)
    %dma_wait3A_73 = arith.constant 0 : i32
    %dma_wait3A_74 = tpu.memref_slice %arg4[%add3A_49, %dma_wait3A_73] : memref<2048x768xf32, #tpu.memory_space<hbm>> -> memref<16x768xf32, #tpu.memory_space<hbm>>
    %dma_wait3A_75 = arith.constant 0 : i32
    %dma_wait3A_76 = tpu.memref_slice %arg4[%add3A_49, %dma_wait3A_75] : memref<2048x768xf32, #tpu.memory_space<hbm>> -> memref<16x768xf32, #tpu.memory_space<hbm>>
    tpu.wait_dma2 semaphore(%arg12 : memref<!tpu.dma_semaphore, #tpu.memory_space<semaphore_mem>>) src(%arg8 : memref<16x768xf32, #tpu.memory_space<vmem>>) dst(%dma_wait3A_76 : memref<16x768xf32, #tpu.memory_space<hbm>>)
    %dma_wait3A_77 = arith.constant 0 : i32
    %dma_wait3A_78 = tpu.memref_slice %arg4[%add3A_60, %dma_wait3A_77] : memref<2048x768xf32, #tpu.memory_space<hbm>> -> memref<16x768xf32, #tpu.memory_space<hbm>>
    %dma_wait3A_79 = arith.constant 0 : i32
    %dma_wait3A_80 = tpu.memref_slice %arg4[%add3A_60, %dma_wait3A_79] : memref<2048x768xf32, #tpu.memory_space<hbm>> -> memref<16x768xf32, #tpu.memory_space<hbm>>
    tpu.wait_dma2 semaphore(%arg13 : memref<!tpu.dma_semaphore, #tpu.memory_space<semaphore_mem>>) src(%arg9 : memref<16x768xf32, #tpu.memory_space<vmem>>) dst(%dma_wait3A_80 : memref<16x768xf32, #tpu.memory_space<hbm>>)
    return
  }
}

#map = affine_map<(d0, d1) -> (0, 0)>
#map1 = affine_map<(d0, d1) -> (0)>
module attributes {stable_mosaic.version = 14 : i64} {
  func.func @_dispatch_body(%arg0: i32, %arg1: i32, %arg2: memref<2048x768xf32, #tpu.memory_space<hbm>>, %arg3: memref<2048xi32, #tpu.memory_space<hbm>>, %arg4: memref<2048xf32, #tpu.memory_space<hbm>>, %arg5: memref<2560x768xf32, #tpu.memory_space<hbm>>, %arg6: memref<2560xf32, #tpu.memory_space<hbm>>, %arg7: memref<2048xi32, #tpu.memory_space<vmem>>, %arg8: memref<2048xf32, #tpu.memory_space<vmem>>, %arg9: memref<2576xi32, #tpu.memory_space<vmem>>, %arg10: memref<80xf32, #tpu.memory_space<vmem>>, %arg11: memref<40x768xf32, #tpu.memory_space<vmem>>, %arg12: memref<40x768xf32, #tpu.memory_space<vmem>>, %arg13: memref<!tpu.dma_semaphore, #tpu.memory_space<semaphore_mem>>, %arg14: memref<!tpu.dma_semaphore, #tpu.memory_space<semaphore_mem>>, %arg15: memref<!tpu.dma_semaphore, #tpu.memory_space<semaphore_mem>>) attributes {dimension_semantics = [#tpu.dimension_semantics<core_parallel>, #tpu.dimension_semantics<subcore_parallel>], iteration_bounds = array<i64: 2, 16>, scalar_prefetch = 0 : i64, scratch_operands = 9 : i64, tpu.core_type = #tpu.core_type<sc_vector_subcore>, window_params = [{transform_indices = #map}, {transform_indices = #map1}, {transform_indices = #map1}, {transform_indices = #map}, {transform_indices = #map1}]} {
    %mul3A = arith.constant 2 : i32
    %mul3A_0 = arith.muli %arg1, %mul3A : i32
    %add3A = arith.addi %mul3A_0, %arg0 : i32
    %mul3A_1 = arith.constant 80 : i32
    %mul3A_2 = arith.muli %add3A, %mul3A_1 : i32
    tpu.enqueue_dma source(%arg4 : memref<2048xf32, #tpu.memory_space<hbm>>) target(%arg8 : memref<2048xf32, #tpu.memory_space<vmem>>) target_semaphore(%arg15 : memref<!tpu.dma_semaphore, #tpu.memory_space<semaphore_mem>>)
    "tpu.region"() ({
      %run_scoped3A = tpu.sem_alloc : memref<!tpu.dma_semaphore, #tpu.memory_space<semaphore_mem>>
      tpu.enqueue_dma source(%arg3 : memref<2048xi32, #tpu.memory_space<hbm>>) target(%arg7 : memref<2048xi32, #tpu.memory_space<vmem>>) target_semaphore(%run_scoped3A : memref<!tpu.dma_semaphore, #tpu.memory_space<semaphore_mem>>)
      tpu.wait_dma2 semaphore(%run_scoped3A : memref<!tpu.dma_semaphore, #tpu.memory_space<semaphore_mem>>) src(%arg3 : memref<2048xi32, #tpu.memory_space<hbm>>) dst(%arg7 : memref<2048xi32, #tpu.memory_space<vmem>>)
      tpu.yield
    }) : () -> ()
    %iota3A = tpu.iota {dimensions = array<i32: 0>} : vector<16xi32>
    %add3A_3 = arith.constant 0 : i32
    %add3A_4 = arith.addi %mul3A_2, %add3A_3 : i32
    %add3A_5 = vector.broadcast %add3A_4 : i32 to vector<16xi32>
    %add3A_6 = arith.addi %iota3A, %add3A_5 : vector<16xi32>
    %and3A = arith.constant 2047 : i32
    %and3A_7 = vector.broadcast %and3A : i32 to vector<16xi32>
    %and3A_8 = arith.andi %add3A_6, %and3A_7 : vector<16xi32>
    %add3A_9 = arith.constant 0 : i32
    %add3A_10 = arith.addi %mul3A_2, %add3A_9 : i32
    %swap3A = arith.index_cast %add3A_10 : i32 to index
    %swap3A_11 = tpu.vector_load %arg9[%swap3A] {strides = array<i32>} : memref<2576xi32, #tpu.memory_space<vmem>>, vector<16xi32>,
    tpu.vector_store %arg9[%swap3A], %and3A_8 {strides = array<i32>} : memref<2576xi32, #tpu.memory_space<vmem>>, vector<16xi32>,
    %iota3A_12 = tpu.iota {dimensions = array<i32: 0>} : vector<16xi32>
    %add3A_13 = arith.constant 16 : i32
    %add3A_14 = arith.addi %mul3A_2, %add3A_13 : i32
    %add3A_15 = vector.broadcast %add3A_14 : i32 to vector<16xi32>
    %add3A_16 = arith.addi %iota3A_12, %add3A_15 : vector<16xi32>
    %and3A_17 = arith.constant 2047 : i32
    %and3A_18 = vector.broadcast %and3A_17 : i32 to vector<16xi32>
    %and3A_19 = arith.andi %add3A_16, %and3A_18 : vector<16xi32>
    %add3A_20 = arith.constant 16 : i32
    %add3A_21 = arith.addi %mul3A_2, %add3A_20 : i32
    %swap3A_22 = arith.index_cast %add3A_21 : i32 to index
    %swap3A_23 = tpu.vector_load %arg9[%swap3A_22] {strides = array<i32>} : memref<2576xi32, #tpu.memory_space<vmem>>, vector<16xi32>,
    tpu.vector_store %arg9[%swap3A_22], %and3A_19 {strides = array<i32>} : memref<2576xi32, #tpu.memory_space<vmem>>, vector<16xi32>,
    %iota3A_24 = tpu.iota {dimensions = array<i32: 0>} : vector<16xi32>
    %add3A_25 = arith.constant 32 : i32
    %add3A_26 = arith.addi %mul3A_2, %add3A_25 : i32
    %add3A_27 = vector.broadcast %add3A_26 : i32 to vector<16xi32>
    %add3A_28 = arith.addi %iota3A_24, %add3A_27 : vector<16xi32>
    %and3A_29 = arith.constant 2047 : i32
    %and3A_30 = vector.broadcast %and3A_29 : i32 to vector<16xi32>
    %and3A_31 = arith.andi %add3A_28, %and3A_30 : vector<16xi32>
    %add3A_32 = arith.constant 32 : i32
    %add3A_33 = arith.addi %mul3A_2, %add3A_32 : i32
    %swap3A_34 = arith.index_cast %add3A_33 : i32 to index
    %swap3A_35 = tpu.vector_load %arg9[%swap3A_34] {strides = array<i32>} : memref<2576xi32, #tpu.memory_space<vmem>>, vector<16xi32>,
    tpu.vector_store %arg9[%swap3A_34], %and3A_31 {strides = array<i32>} : memref<2576xi32, #tpu.memory_space<vmem>>, vector<16xi32>,
    %iota3A_36 = tpu.iota {dimensions = array<i32: 0>} : vector<16xi32>
    %add3A_37 = arith.constant 48 : i32
    %add3A_38 = arith.addi %mul3A_2, %add3A_37 : i32
    %add3A_39 = vector.broadcast %add3A_38 : i32 to vector<16xi32>
    %add3A_40 = arith.addi %iota3A_36, %add3A_39 : vector<16xi32>
    %and3A_41 = arith.constant 2047 : i32
    %and3A_42 = vector.broadcast %and3A_41 : i32 to vector<16xi32>
    %and3A_43 = arith.andi %add3A_40, %and3A_42 : vector<16xi32>
    %add3A_44 = arith.constant 48 : i32
    %add3A_45 = arith.addi %mul3A_2, %add3A_44 : i32
    %swap3A_46 = arith.index_cast %add3A_45 : i32 to index
    %swap3A_47 = tpu.vector_load %arg9[%swap3A_46] {strides = array<i32>} : memref<2576xi32, #tpu.memory_space<vmem>>, vector<16xi32>,
    tpu.vector_store %arg9[%swap3A_46], %and3A_43 {strides = array<i32>} : memref<2576xi32, #tpu.memory_space<vmem>>, vector<16xi32>,
    %iota3A_48 = tpu.iota {dimensions = array<i32: 0>} : vector<16xi32>
    %add3A_49 = arith.constant 64 : i32
    %add3A_50 = arith.addi %mul3A_2, %add3A_49 : i32
    %add3A_51 = vector.broadcast %add3A_50 : i32 to vector<16xi32>
    %add3A_52 = arith.addi %iota3A_48, %add3A_51 : vector<16xi32>
    %and3A_53 = arith.constant 2047 : i32
    %and3A_54 = vector.broadcast %and3A_53 : i32 to vector<16xi32>
    %and3A_55 = arith.andi %add3A_52, %and3A_54 : vector<16xi32>
    %add3A_56 = arith.constant 64 : i32
    %add3A_57 = arith.addi %mul3A_2, %add3A_56 : i32
    %swap3A_58 = arith.index_cast %add3A_57 : i32 to index
    %swap3A_59 = tpu.vector_load %arg9[%swap3A_58] {strides = array<i32>} : memref<2576xi32, #tpu.memory_space<vmem>>, vector<16xi32>,
    tpu.vector_store %arg9[%swap3A_58], %and3A_55 {strides = array<i32>} : memref<2576xi32, #tpu.memory_space<vmem>>, vector<16xi32>,
    %scan3A = arith.constant 0 : i32
    %scan3A_60 = arith.constant 0 : i32
    %scan3A_61 = arith.constant 16 : i32
    %scan3A_62 = arith.addi %scan3A_60, %scan3A_61 : i32
    %scan3A_63 = arith.constant 1 : i32
    %scan3A_64 = scf.for %scan3A_137 = %scan3A_60 to %scan3A_62 step %scan3A_63 iter_args(%scan3A_138 = %scan3A) -> (i32)  : i32 {
      %mul3A_139 = arith.constant 8 : i32
      %mul3A_140 = arith.muli %scan3A_137, %mul3A_139 : i32
      %add3A_141 = arith.constant 0 : i32
      %add3A_142 = arith.addi %mul3A_140, %add3A_141 : i32
      %mul3A_143 = arith.constant 16 : i32
      %mul3A_144 = arith.muli %add3A_142, %mul3A_143 : i32
      %get3A_145 = arith.index_cast %mul3A_144 : i32 to index
      %get3A_146 = tpu.vector_load %arg7[%get3A_145] {strides = array<i32>} : memref<2048xi32, #tpu.memory_space<vmem>>, vector<16xi32>,
      %iota3A_147 = tpu.iota {dimensions = array<i32: 0>} : vector<16xi32>
      %mul3A_148 = arith.constant 16 : i32
      %mul3A_149 = arith.muli %add3A_142, %mul3A_148 : i32
      %add3A_150 = vector.broadcast %mul3A_149 : i32 to vector<16xi32>
      %add3A_151 = arith.addi %iota3A_147, %add3A_150 : vector<16xi32>
      tpu.vector_store_idx %arg9[%get3A_146], %add3A_151 : memref<2576xi32, #tpu.memory_space<vmem>>[vector<16xi32>], vector<16xi32>,
      %mul3A_152 = arith.constant 8 : i32
      %mul3A_153 = arith.muli %scan3A_137, %mul3A_152 : i32
      %add3A_154 = arith.constant 1 : i32
      %add3A_155 = arith.addi %mul3A_153, %add3A_154 : i32
      %mul3A_156 = arith.constant 16 : i32
      %mul3A_157 = arith.muli %add3A_155, %mul3A_156 : i32
      %get3A_158 = arith.index_cast %mul3A_157 : i32 to index
      %get3A_159 = tpu.vector_load %arg7[%get3A_158] {strides = array<i32>} : memref<2048xi32, #tpu.memory_space<vmem>>, vector<16xi32>,
      %iota3A_160 = tpu.iota {dimensions = array<i32: 0>} : vector<16xi32>
      %mul3A_161 = arith.constant 16 : i32
      %mul3A_162 = arith.muli %add3A_155, %mul3A_161 : i32
      %add3A_163 = vector.broadcast %mul3A_162 : i32 to vector<16xi32>
      %add3A_164 = arith.addi %iota3A_160, %add3A_163 : vector<16xi32>
      tpu.vector_store_idx %arg9[%get3A_159], %add3A_164 : memref<2576xi32, #tpu.memory_space<vmem>>[vector<16xi32>], vector<16xi32>,
      %mul3A_165 = arith.constant 8 : i32
      %mul3A_166 = arith.muli %scan3A_137, %mul3A_165 : i32
      %add3A_167 = arith.constant 2 : i32
      %add3A_168 = arith.addi %mul3A_166, %add3A_167 : i32
      %mul3A_169 = arith.constant 16 : i32
      %mul3A_170 = arith.muli %add3A_168, %mul3A_169 : i32
      %get3A_171 = arith.index_cast %mul3A_170 : i32 to index
      %get3A_172 = tpu.vector_load %arg7[%get3A_171] {strides = array<i32>} : memref<2048xi32, #tpu.memory_space<vmem>>, vector<16xi32>,
      %iota3A_173 = tpu.iota {dimensions = array<i32: 0>} : vector<16xi32>
      %mul3A_174 = arith.constant 16 : i32
      %mul3A_175 = arith.muli %add3A_168, %mul3A_174 : i32
      %add3A_176 = vector.broadcast %mul3A_175 : i32 to vector<16xi32>
      %add3A_177 = arith.addi %iota3A_173, %add3A_176 : vector<16xi32>
      tpu.vector_store_idx %arg9[%get3A_172], %add3A_177 : memref<2576xi32, #tpu.memory_space<vmem>>[vector<16xi32>], vector<16xi32>,
      %mul3A_178 = arith.constant 8 : i32
      %mul3A_179 = arith.muli %scan3A_137, %mul3A_178 : i32
      %add3A_180 = arith.constant 3 : i32
      %add3A_181 = arith.addi %mul3A_179, %add3A_180 : i32
      %mul3A_182 = arith.constant 16 : i32
      %mul3A_183 = arith.muli %add3A_181, %mul3A_182 : i32
      %get3A_184 = arith.index_cast %mul3A_183 : i32 to index
      %get3A_185 = tpu.vector_load %arg7[%get3A_184] {strides = array<i32>} : memref<2048xi32, #tpu.memory_space<vmem>>, vector<16xi32>,
      %iota3A_186 = tpu.iota {dimensions = array<i32: 0>} : vector<16xi32>
      %mul3A_187 = arith.constant 16 : i32
      %mul3A_188 = arith.muli %add3A_181, %mul3A_187 : i32
      %add3A_189 = vector.broadcast %mul3A_188 : i32 to vector<16xi32>
      %add3A_190 = arith.addi %iota3A_186, %add3A_189 : vector<16xi32>
      tpu.vector_store_idx %arg9[%get3A_185], %add3A_190 : memref<2576xi32, #tpu.memory_space<vmem>>[vector<16xi32>], vector<16xi32>,
      %mul3A_191 = arith.constant 8 : i32
      %mul3A_192 = arith.muli %scan3A_137, %mul3A_191 : i32
      %add3A_193 = arith.constant 4 : i32
      %add3A_194 = arith.addi %mul3A_192, %add3A_193 : i32
      %mul3A_195 = arith.constant 16 : i32
      %mul3A_196 = arith.muli %add3A_194, %mul3A_195 : i32
      %get3A_197 = arith.index_cast %mul3A_196 : i32 to index
      %get3A_198 = tpu.vector_load %arg7[%get3A_197] {strides = array<i32>} : memref<2048xi32, #tpu.memory_space<vmem>>, vector<16xi32>,
      %iota3A_199 = tpu.iota {dimensions = array<i32: 0>} : vector<16xi32>
      %mul3A_200 = arith.constant 16 : i32
      %mul3A_201 = arith.muli %add3A_194, %mul3A_200 : i32
      %add3A_202 = vector.broadcast %mul3A_201 : i32 to vector<16xi32>
      %add3A_203 = arith.addi %iota3A_199, %add3A_202 : vector<16xi32>
      tpu.vector_store_idx %arg9[%get3A_198], %add3A_203 : memref<2576xi32, #tpu.memory_space<vmem>>[vector<16xi32>], vector<16xi32>,
      %mul3A_204 = arith.constant 8 : i32
      %mul3A_205 = arith.muli %scan3A_137, %mul3A_204 : i32
      %add3A_206 = arith.constant 5 : i32
      %add3A_207 = arith.addi %mul3A_205, %add3A_206 : i32
      %mul3A_208 = arith.constant 16 : i32
      %mul3A_209 = arith.muli %add3A_207, %mul3A_208 : i32
      %get3A_210 = arith.index_cast %mul3A_209 : i32 to index
      %get3A_211 = tpu.vector_load %arg7[%get3A_210] {strides = array<i32>} : memref<2048xi32, #tpu.memory_space<vmem>>, vector<16xi32>,
      %iota3A_212 = tpu.iota {dimensions = array<i32: 0>} : vector<16xi32>
      %mul3A_213 = arith.constant 16 : i32
      %mul3A_214 = arith.muli %add3A_207, %mul3A_213 : i32
      %add3A_215 = vector.broadcast %mul3A_214 : i32 to vector<16xi32>
      %add3A_216 = arith.addi %iota3A_212, %add3A_215 : vector<16xi32>
      tpu.vector_store_idx %arg9[%get3A_211], %add3A_216 : memref<2576xi32, #tpu.memory_space<vmem>>[vector<16xi32>], vector<16xi32>,
      %mul3A_217 = arith.constant 8 : i32
      %mul3A_218 = arith.muli %scan3A_137, %mul3A_217 : i32
      %add3A_219 = arith.constant 6 : i32
      %add3A_220 = arith.addi %mul3A_218, %add3A_219 : i32
      %mul3A_221 = arith.constant 16 : i32
      %mul3A_222 = arith.muli %add3A_220, %mul3A_221 : i32
      %get3A_223 = arith.index_cast %mul3A_222 : i32 to index
      %get3A_224 = tpu.vector_load %arg7[%get3A_223] {strides = array<i32>} : memref<2048xi32, #tpu.memory_space<vmem>>, vector<16xi32>,
      %iota3A_225 = tpu.iota {dimensions = array<i32: 0>} : vector<16xi32>
      %mul3A_226 = arith.constant 16 : i32
      %mul3A_227 = arith.muli %add3A_220, %mul3A_226 : i32
      %add3A_228 = vector.broadcast %mul3A_227 : i32 to vector<16xi32>
      %add3A_229 = arith.addi %iota3A_225, %add3A_228 : vector<16xi32>
      tpu.vector_store_idx %arg9[%get3A_224], %add3A_229 : memref<2576xi32, #tpu.memory_space<vmem>>[vector<16xi32>], vector<16xi32>,
      %mul3A_230 = arith.constant 8 : i32
      %mul3A_231 = arith.muli %scan3A_137, %mul3A_230 : i32
      %add3A_232 = arith.constant 7 : i32
      %add3A_233 = arith.addi %mul3A_231, %add3A_232 : i32
      %mul3A_234 = arith.constant 16 : i32
      %mul3A_235 = arith.muli %add3A_233, %mul3A_234 : i32
      %get3A_236 = arith.index_cast %mul3A_235 : i32 to index
      %get3A_237 = tpu.vector_load %arg7[%get3A_236] {strides = array<i32>} : memref<2048xi32, #tpu.memory_space<vmem>>, vector<16xi32>,
      %iota3A_238 = tpu.iota {dimensions = array<i32: 0>} : vector<16xi32>
      %mul3A_239 = arith.constant 16 : i32
      %mul3A_240 = arith.muli %add3A_233, %mul3A_239 : i32
      %add3A_241 = vector.broadcast %mul3A_240 : i32 to vector<16xi32>
      %add3A_242 = arith.addi %iota3A_238, %add3A_241 : vector<16xi32>
      tpu.vector_store_idx %arg9[%get3A_237], %add3A_242 : memref<2576xi32, #tpu.memory_space<vmem>>[vector<16xi32>], vector<16xi32>,
      %scan3A_243 = arith.constant 0 : i32
      scf.yield %scan3A_243 : i32
    }
    %scan3A_65 = arith.constant 16 : i32
    %add3A_66 = arith.constant 0 : i32
    %add3A_67 = arith.addi %mul3A_2, %add3A_66 : i32
    %dma_start3A = tpu.memref_slice %arg9[%add3A_67] : memref<2576xi32, #tpu.memory_space<vmem>> -> memref<40xi32, #tpu.memory_space<vmem>>
    %dma_start3A_68 = arith.constant 0 : i32
    %dma_start3A_69 = arith.constant 0 : i32
    %dma_start3A_70 = tpu.memref_slice %arg2[%dma_start3A_68, %dma_start3A_69] : memref<2048x768xf32, #tpu.memory_space<hbm>> -> memref<2048x768xf32, #tpu.memory_space<hbm>>
    tpu.enqueue_indirect_dma source(%dma_start3A_70 : memref<2048x768xf32, #tpu.memory_space<hbm>>) target(%arg11 : memref<40x768xf32, #tpu.memory_space<vmem>>) offsets(%dma_start3A : memref<40xi32, #tpu.memory_space<vmem>>) semaphore(%arg13 : memref<!tpu.dma_semaphore, #tpu.memory_space<semaphore_mem>>)
    %add3A_71 = arith.constant 40 : i32
    %add3A_72 = arith.addi %mul3A_2, %add3A_71 : i32
    %dma_start3A_73 = tpu.memref_slice %arg9[%add3A_72] : memref<2576xi32, #tpu.memory_space<vmem>> -> memref<40xi32, #tpu.memory_space<vmem>>
    %dma_start3A_74 = arith.constant 0 : i32
    %dma_start3A_75 = arith.constant 0 : i32
    %dma_start3A_76 = tpu.memref_slice %arg2[%dma_start3A_74, %dma_start3A_75] : memref<2048x768xf32, #tpu.memory_space<hbm>> -> memref<2048x768xf32, #tpu.memory_space<hbm>>
    tpu.enqueue_indirect_dma source(%dma_start3A_76 : memref<2048x768xf32, #tpu.memory_space<hbm>>) target(%arg12 : memref<40x768xf32, #tpu.memory_space<vmem>>) offsets(%dma_start3A_73 : memref<40xi32, #tpu.memory_space<vmem>>) semaphore(%arg14 : memref<!tpu.dma_semaphore, #tpu.memory_space<semaphore_mem>>)
    tpu.wait_dma2 semaphore(%arg15 : memref<!tpu.dma_semaphore, #tpu.memory_space<semaphore_mem>>) src(%arg4 : memref<2048xf32, #tpu.memory_space<hbm>>) dst(%arg8 : memref<2048xf32, #tpu.memory_space<vmem>>)
    %add3A_77 = arith.constant 0 : i32
    %add3A_78 = arith.addi %mul3A_2, %add3A_77 : i32
    %get3A = arith.index_cast %add3A_78 : i32 to index
    %get3A_79 = tpu.vector_load %arg9[%get3A] {strides = array<i32>} : memref<2576xi32, #tpu.memory_space<vmem>>, vector<16xi32>,
    %gather3A = tpu.vector_load_idx %arg8[%get3A_79] : memref<2048xf32, #tpu.memory_space<vmem>>[vector<16xi32>], vector<16xf32>,
    %swap3A_80 = arith.constant 0 : index
    %swap3A_81 = tpu.vector_load %arg10[%swap3A_80] {strides = array<i32>} : memref<80xf32, #tpu.memory_space<vmem>>, vector<16xf32>,
    tpu.vector_store %arg10[%swap3A_80], %gather3A {strides = array<i32>} : memref<80xf32, #tpu.memory_space<vmem>>, vector<16xf32>,
    %add3A_82 = arith.constant 16 : i32
    %add3A_83 = arith.addi %mul3A_2, %add3A_82 : i32
    %get3A_84 = arith.index_cast %add3A_83 : i32 to index
    %get3A_85 = tpu.vector_load %arg9[%get3A_84] {strides = array<i32>} : memref<2576xi32, #tpu.memory_space<vmem>>, vector<16xi32>,
    %gather3A_86 = tpu.vector_load_idx %arg8[%get3A_85] : memref<2048xf32, #tpu.memory_space<vmem>>[vector<16xi32>], vector<16xf32>,
    %swap3A_87 = arith.constant 16 : index
    %swap3A_88 = tpu.vector_load %arg10[%swap3A_87] {strides = array<i32>} : memref<80xf32, #tpu.memory_space<vmem>>, vector<16xf32>,
    tpu.vector_store %arg10[%swap3A_87], %gather3A_86 {strides = array<i32>} : memref<80xf32, #tpu.memory_space<vmem>>, vector<16xf32>,
    %add3A_89 = arith.constant 32 : i32
    %add3A_90 = arith.addi %mul3A_2, %add3A_89 : i32
    %get3A_91 = arith.index_cast %add3A_90 : i32 to index
    %get3A_92 = tpu.vector_load %arg9[%get3A_91] {strides = array<i32>} : memref<2576xi32, #tpu.memory_space<vmem>>, vector<16xi32>,
    %gather3A_93 = tpu.vector_load_idx %arg8[%get3A_92] : memref<2048xf32, #tpu.memory_space<vmem>>[vector<16xi32>], vector<16xf32>,
    %swap3A_94 = arith.constant 32 : index
    %swap3A_95 = tpu.vector_load %arg10[%swap3A_94] {strides = array<i32>} : memref<80xf32, #tpu.memory_space<vmem>>, vector<16xf32>,
    tpu.vector_store %arg10[%swap3A_94], %gather3A_93 {strides = array<i32>} : memref<80xf32, #tpu.memory_space<vmem>>, vector<16xf32>,
    %add3A_96 = arith.constant 48 : i32
    %add3A_97 = arith.addi %mul3A_2, %add3A_96 : i32
    %get3A_98 = arith.index_cast %add3A_97 : i32 to index
    %get3A_99 = tpu.vector_load %arg9[%get3A_98] {strides = array<i32>} : memref<2576xi32, #tpu.memory_space<vmem>>, vector<16xi32>,
    %gather3A_100 = tpu.vector_load_idx %arg8[%get3A_99] : memref<2048xf32, #tpu.memory_space<vmem>>[vector<16xi32>], vector<16xf32>,
    %swap3A_101 = arith.constant 48 : index
    %swap3A_102 = tpu.vector_load %arg10[%swap3A_101] {strides = array<i32>} : memref<80xf32, #tpu.memory_space<vmem>>, vector<16xf32>,
    tpu.vector_store %arg10[%swap3A_101], %gather3A_100 {strides = array<i32>} : memref<80xf32, #tpu.memory_space<vmem>>, vector<16xf32>,
    %add3A_103 = arith.constant 64 : i32
    %add3A_104 = arith.addi %mul3A_2, %add3A_103 : i32
    %get3A_105 = arith.index_cast %add3A_104 : i32 to index
    %get3A_106 = tpu.vector_load %arg9[%get3A_105] {strides = array<i32>} : memref<2576xi32, #tpu.memory_space<vmem>>, vector<16xi32>,
    %gather3A_107 = tpu.vector_load_idx %arg8[%get3A_106] : memref<2048xf32, #tpu.memory_space<vmem>>[vector<16xi32>], vector<16xf32>,
    %swap3A_108 = arith.constant 64 : index
    %swap3A_109 = tpu.vector_load %arg10[%swap3A_108] {strides = array<i32>} : memref<80xf32, #tpu.memory_space<vmem>>, vector<16xf32>,
    tpu.vector_store %arg10[%swap3A_108], %gather3A_107 {strides = array<i32>} : memref<80xf32, #tpu.memory_space<vmem>>, vector<16xf32>,
    "tpu.region"() ({
      %run_scoped3A = tpu.sem_alloc : memref<!tpu.dma_semaphore, #tpu.memory_space<semaphore_mem>>
      %dma_start3A_137 = tpu.memref_slice %arg6[%mul3A_2] : memref<2560xf32, #tpu.memory_space<hbm>> -> memref<80xf32, #tpu.memory_space<hbm>>
      %dma_start3A_138 = tpu.memref_slice %arg6[%mul3A_2] : memref<2560xf32, #tpu.memory_space<hbm>> -> memref<80xf32, #tpu.memory_space<hbm>>
      tpu.enqueue_dma source(%arg10 : memref<80xf32, #tpu.memory_space<vmem>>) target(%dma_start3A_138 : memref<80xf32, #tpu.memory_space<hbm>>) target_semaphore(%run_scoped3A : memref<!tpu.dma_semaphore, #tpu.memory_space<semaphore_mem>>)
      %dma_wait3A_139 = tpu.memref_slice %arg6[%mul3A_2] : memref<2560xf32, #tpu.memory_space<hbm>> -> memref<80xf32, #tpu.memory_space<hbm>>
      %dma_wait3A_140 = tpu.memref_slice %arg6[%mul3A_2] : memref<2560xf32, #tpu.memory_space<hbm>> -> memref<80xf32, #tpu.memory_space<hbm>>
      tpu.wait_dma2 semaphore(%run_scoped3A : memref<!tpu.dma_semaphore, #tpu.memory_space<semaphore_mem>>) src(%arg10 : memref<80xf32, #tpu.memory_space<vmem>>) dst(%dma_wait3A_140 : memref<80xf32, #tpu.memory_space<hbm>>)
      tpu.yield
    }) : () -> ()
    %dma_wait3A = tpu.memref_slice %arg9[%add3A_67] : memref<2576xi32, #tpu.memory_space<vmem>> -> memref<40xi32, #tpu.memory_space<vmem>>
    %dma_wait3A_110 = arith.constant 0 : i32
    %dma_wait3A_111 = arith.constant 0 : i32
    %dma_wait3A_112 = tpu.memref_slice %arg2[%dma_wait3A_110, %dma_wait3A_111] : memref<2048x768xf32, #tpu.memory_space<hbm>> -> memref<2048x768xf32, #tpu.memory_space<hbm>>
    tpu.wait_indirect_dma semaphore(%arg13 : memref<!tpu.dma_semaphore, #tpu.memory_space<semaphore_mem>>) src(%dma_wait3A_112 : memref<2048x768xf32, #tpu.memory_space<hbm>>) dst(%arg11 : memref<40x768xf32, #tpu.memory_space<vmem>>)
    %add3A_113 = arith.constant 0 : i32
    %add3A_114 = arith.addi %mul3A_2, %add3A_113 : i32
    %dma_start3A_115 = arith.constant 0 : i32
    %dma_start3A_116 = tpu.memref_slice %arg5[%add3A_114, %dma_start3A_115] : memref<2560x768xf32, #tpu.memory_space<hbm>> -> memref<40x768xf32, #tpu.memory_space<hbm>>
    %dma_start3A_117 = arith.constant 0 : i32
    %dma_start3A_118 = tpu.memref_slice %arg5[%add3A_114, %dma_start3A_117] : memref<2560x768xf32, #tpu.memory_space<hbm>> -> memref<40x768xf32, #tpu.memory_space<hbm>>
    tpu.enqueue_dma source(%arg11 : memref<40x768xf32, #tpu.memory_space<vmem>>) target(%dma_start3A_118 : memref<40x768xf32, #tpu.memory_space<hbm>>) target_semaphore(%arg13 : memref<!tpu.dma_semaphore, #tpu.memory_space<semaphore_mem>>)
    %dma_wait3A_119 = tpu.memref_slice %arg9[%add3A_72] : memref<2576xi32, #tpu.memory_space<vmem>> -> memref<40xi32, #tpu.memory_space<vmem>>
    %dma_wait3A_120 = arith.constant 0 : i32
    %dma_wait3A_121 = arith.constant 0 : i32
    %dma_wait3A_122 = tpu.memref_slice %arg2[%dma_wait3A_120, %dma_wait3A_121] : memref<2048x768xf32, #tpu.memory_space<hbm>> -> memref<2048x768xf32, #tpu.memory_space<hbm>>
    tpu.wait_indirect_dma semaphore(%arg14 : memref<!tpu.dma_semaphore, #tpu.memory_space<semaphore_mem>>) src(%dma_wait3A_122 : memref<2048x768xf32, #tpu.memory_space<hbm>>) dst(%arg12 : memref<40x768xf32, #tpu.memory_space<vmem>>)
    %add3A_123 = arith.constant 40 : i32
    %add3A_124 = arith.addi %mul3A_2, %add3A_123 : i32
    %dma_start3A_125 = arith.constant 0 : i32
    %dma_start3A_126 = tpu.memref_slice %arg5[%add3A_124, %dma_start3A_125] : memref<2560x768xf32, #tpu.memory_space<hbm>> -> memref<40x768xf32, #tpu.memory_space<hbm>>
    %dma_start3A_127 = arith.constant 0 : i32
    %dma_start3A_128 = tpu.memref_slice %arg5[%add3A_124, %dma_start3A_127] : memref<2560x768xf32, #tpu.memory_space<hbm>> -> memref<40x768xf32, #tpu.memory_space<hbm>>
    tpu.enqueue_dma source(%arg12 : memref<40x768xf32, #tpu.memory_space<vmem>>) target(%dma_start3A_128 : memref<40x768xf32, #tpu.memory_space<hbm>>) target_semaphore(%arg14 : memref<!tpu.dma_semaphore, #tpu.memory_space<semaphore_mem>>)
    %dma_wait3A_129 = arith.constant 0 : i32
    %dma_wait3A_130 = tpu.memref_slice %arg5[%add3A_114, %dma_wait3A_129] : memref<2560x768xf32, #tpu.memory_space<hbm>> -> memref<40x768xf32, #tpu.memory_space<hbm>>
    %dma_wait3A_131 = arith.constant 0 : i32
    %dma_wait3A_132 = tpu.memref_slice %arg5[%add3A_114, %dma_wait3A_131] : memref<2560x768xf32, #tpu.memory_space<hbm>> -> memref<40x768xf32, #tpu.memory_space<hbm>>
    tpu.wait_dma2 semaphore(%arg13 : memref<!tpu.dma_semaphore, #tpu.memory_space<semaphore_mem>>) src(%arg11 : memref<40x768xf32, #tpu.memory_space<vmem>>) dst(%dma_wait3A_132 : memref<40x768xf32, #tpu.memory_space<hbm>>)
    %dma_wait3A_133 = arith.constant 0 : i32
    %dma_wait3A_134 = tpu.memref_slice %arg5[%add3A_124, %dma_wait3A_133] : memref<2560x768xf32, #tpu.memory_space<hbm>> -> memref<40x768xf32, #tpu.memory_space<hbm>>
    %dma_wait3A_135 = arith.constant 0 : i32
    %dma_wait3A_136 = tpu.memref_slice %arg5[%add3A_124, %dma_wait3A_135] : memref<2560x768xf32, #tpu.memory_space<hbm>> -> memref<40x768xf32, #tpu.memory_space<hbm>>
    tpu.wait_dma2 semaphore(%arg14 : memref<!tpu.dma_semaphore, #tpu.memory_space<semaphore_mem>>) src(%arg12 : memref<40x768xf32, #tpu.memory_space<vmem>>) dst(%dma_wait3A_136 : memref<40x768xf32, #tpu.memory_space<hbm>>)
    return
  }
}

module attributes {stable_mosaic.version = 14 : i64} {
  func.func @_route_body(%arg0: memref<2048x768xf32, #tpu.memory_space<vmem>>, %arg1: memref<64x768xf32, #tpu.memory_space<vmem>>, %arg2: memref<2048xi32, #tpu.memory_space<vmem>>, %arg3: memref<2048xf32, #tpu.memory_space<vmem>>, %arg4: memref<1x1xf32, #tpu.memory_space<vmem>>) attributes {dimension_semantics = [], scalar_prefetch = 0 : i64, scratch_operands = 0 : i64, tpu.core_type = #tpu.core_type<tc>} {
    %get3A = arith.constant 0 : index
    %get3A_0 = arith.constant 0 : index
    %get3A_1 = vector.load %arg1[%get3A, %get3A_0] : memref<64x768xf32, #tpu.memory_space<vmem>>, vector<64x768xf32>
    %get3A_2 = arith.constant 0 : index
    %get3A_3 = arith.constant 0 : index
    %get3A_4 = vector.load %arg0[%get3A_2, %get3A_3] : memref<2048x768xf32, #tpu.memory_space<vmem>>, vector<2048x768xf32>
    %dot_general3A = arith.constant dense<0.000000e+00> : vector<64x2048xf32>
    %dot_general3A_5 = tpu.matmul %get3A_1, %get3A_4, %dot_general3A {dimension_numbers = #tpu.dot_dimension_numbers<[1], [1], [0], [0], [0, 0, 1, 0], [], []>, transpose_lhs_hint = false} : vector<64x768xf32>, vector<2048x768xf32>, vector<64x2048xf32> -> vector<64x2048xf32>
    %reduce_max3A = arith.constant dense<0xFF800000> : vector<2048xf32>
    %reduce_max3A_6 = vector.multi_reduction <maximumf>, %dot_general3A_5, %reduce_max3A [0] : vector<64x2048xf32> to vector<2048xf32>
    %broadcast_in_dim3A = vector.shape_cast %reduce_max3A_6 : vector<2048xf32> to vector<1x2048xf32>
    %sub3A = vector.broadcast %broadcast_in_dim3A : vector<1x2048xf32> to vector<64x2048xf32>
    %sub3A_7 = arith.subf %dot_general3A_5, %sub3A : vector<64x2048xf32>
    %exp3A = math.exp %sub3A_7 : vector<64x2048xf32>
    %reduce_sum3A = arith.constant dense<0.000000e+00> : vector<2048xf32>
    %reduce_sum3A_8 = vector.multi_reduction <add>, %exp3A, %reduce_sum3A [0] : vector<64x2048xf32> to vector<2048xf32>
    %broadcast_in_dim3A_9 = vector.shape_cast %reduce_sum3A_8 : vector<2048xf32> to vector<1x2048xf32>
    %div3A = vector.broadcast %broadcast_in_dim3A_9 : vector<1x2048xf32> to vector<64x2048xf32>
    %div3A_10 = arith.divf %exp3A, %div3A : vector<64x2048xf32>
    %reduce_max3A_11 = arith.constant dense<0xFF800000> : vector<2048xf32>
    %reduce_max3A_12 = vector.multi_reduction <maximumf>, %div3A_10, %reduce_max3A_11 [0] : vector<64x2048xf32> to vector<2048xf32>
    %broadcast_in_dim3A_13 = vector.shape_cast %reduce_max3A_12 : vector<2048xf32> to vector<1x2048xf32>
    %iota3A = tpu.iota {dimensions = array<i32: 0>} : vector<64x2048xi32>
    %eq3A = vector.broadcast %broadcast_in_dim3A_13 : vector<1x2048xf32> to vector<64x2048xf32>
    %eq3A_14 = arith.cmpf oeq, %div3A_10, %eq3A : vector<64x2048xf32>
    %jit3A = arith.constant 64 : i32
    %broadcast_in_dim3A_15 = vector.broadcast %jit3A : i32 to vector<64x2048xi32>
    %select_n3A = arith.select %eq3A_14, %iota3A, %broadcast_in_dim3A_15 : vector<64x2048xi1>, vector<64x2048xi32>
    %reduce_min3A = arith.constant dense<2147483647> : vector<2048xi32>
    %reduce_min3A_16 = vector.multi_reduction <minsi>, %select_n3A, %reduce_min3A [0] : vector<64x2048xi32> to vector<2048xi32>
    %broadcast_in_dim3A_17 = vector.shape_cast %reduce_min3A_16 : vector<2048xi32> to vector<1x2048xi32>
    %eq3A_18 = vector.broadcast %broadcast_in_dim3A_17 : vector<1x2048xi32> to vector<64x2048xi32>
    %eq3A_19 = arith.cmpi eq, %iota3A, %eq3A_18 : vector<64x2048xi32>
    %convert_element_type3A = arith.extui %eq3A_19 : vector<64x2048xi1> to vector<64x2048xi32>
    %convert_element_type3A_20 = arith.sitofp %convert_element_type3A : vector<64x2048xi32> to vector<64x2048xf32>
    %broadcast_in_dim3A_21 = arith.constant 0.000000e+00 : f32
    %broadcast_in_dim3A_22 = vector.broadcast %broadcast_in_dim3A_21 : f32 to vector<64x1xf32>
    %slice3A = vector.extract_strided_slice %convert_element_type3A_20 {offsets = [0, 0], sizes = [64, 2047], strides = [1, 1]} : vector<64x2048xf32> to vector<64x2047xf32>
    %concatenate3A = tpu.concatenate %broadcast_in_dim3A_22, %slice3A in 1 : vector<64x1xf32>, vector<64x2047xf32> -> vector<64x2048xf32>
    %add3A = arith.addf %convert_element_type3A_20, %concatenate3A : vector<64x2048xf32>
    %broadcast_in_dim3A_23 = arith.constant 0.000000e+00 : f32
    %broadcast_in_dim3A_24 = vector.broadcast %broadcast_in_dim3A_23 : f32 to vector<64x2xf32>
    %slice3A_25 = vector.extract_strided_slice %add3A {offsets = [0, 0], sizes = [64, 2046], strides = [1, 1]} : vector<64x2048xf32> to vector<64x2046xf32>
    %concatenate3A_26 = tpu.concatenate %broadcast_in_dim3A_24, %slice3A_25 in 1 : vector<64x2xf32>, vector<64x2046xf32> -> vector<64x2048xf32>
    %add3A_27 = arith.addf %add3A, %concatenate3A_26 : vector<64x2048xf32>
    %broadcast_in_dim3A_28 = arith.constant 0.000000e+00 : f32
    %broadcast_in_dim3A_29 = vector.broadcast %broadcast_in_dim3A_28 : f32 to vector<64x4xf32>
    %slice3A_30 = vector.extract_strided_slice %add3A_27 {offsets = [0, 0], sizes = [64, 2044], strides = [1, 1]} : vector<64x2048xf32> to vector<64x2044xf32>
    %concatenate3A_31 = tpu.concatenate %broadcast_in_dim3A_29, %slice3A_30 in 1 : vector<64x4xf32>, vector<64x2044xf32> -> vector<64x2048xf32>
    %add3A_32 = arith.addf %add3A_27, %concatenate3A_31 : vector<64x2048xf32>
    %broadcast_in_dim3A_33 = arith.constant 0.000000e+00 : f32
    %broadcast_in_dim3A_34 = vector.broadcast %broadcast_in_dim3A_33 : f32 to vector<64x8xf32>
    %slice3A_35 = vector.extract_strided_slice %add3A_32 {offsets = [0, 0], sizes = [64, 2040], strides = [1, 1]} : vector<64x2048xf32> to vector<64x2040xf32>
    %concatenate3A_36 = tpu.concatenate %broadcast_in_dim3A_34, %slice3A_35 in 1 : vector<64x8xf32>, vector<64x2040xf32> -> vector<64x2048xf32>
    %add3A_37 = arith.addf %add3A_32, %concatenate3A_36 : vector<64x2048xf32>
    %broadcast_in_dim3A_38 = arith.constant 0.000000e+00 : f32
    %broadcast_in_dim3A_39 = vector.broadcast %broadcast_in_dim3A_38 : f32 to vector<64x16xf32>
    %slice3A_40 = vector.extract_strided_slice %add3A_37 {offsets = [0, 0], sizes = [64, 2032], strides = [1, 1]} : vector<64x2048xf32> to vector<64x2032xf32>
    %concatenate3A_41 = tpu.concatenate %broadcast_in_dim3A_39, %slice3A_40 in 1 : vector<64x16xf32>, vector<64x2032xf32> -> vector<64x2048xf32>
    %add3A_42 = arith.addf %add3A_37, %concatenate3A_41 : vector<64x2048xf32>
    %broadcast_in_dim3A_43 = arith.constant 0.000000e+00 : f32
    %broadcast_in_dim3A_44 = vector.broadcast %broadcast_in_dim3A_43 : f32 to vector<64x32xf32>
    %slice3A_45 = vector.extract_strided_slice %add3A_42 {offsets = [0, 0], sizes = [64, 2016], strides = [1, 1]} : vector<64x2048xf32> to vector<64x2016xf32>
    %concatenate3A_46 = tpu.concatenate %broadcast_in_dim3A_44, %slice3A_45 in 1 : vector<64x32xf32>, vector<64x2016xf32> -> vector<64x2048xf32>
    %add3A_47 = arith.addf %add3A_42, %concatenate3A_46 : vector<64x2048xf32>
    %broadcast_in_dim3A_48 = arith.constant 0.000000e+00 : f32
    %broadcast_in_dim3A_49 = vector.broadcast %broadcast_in_dim3A_48 : f32 to vector<64x64xf32>
    %slice3A_50 = vector.extract_strided_slice %add3A_47 {offsets = [0, 0], sizes = [64, 1984], strides = [1, 1]} : vector<64x2048xf32> to vector<64x1984xf32>
    %concatenate3A_51 = tpu.concatenate %broadcast_in_dim3A_49, %slice3A_50 in 1 : vector<64x64xf32>, vector<64x1984xf32> -> vector<64x2048xf32>
    %add3A_52 = arith.addf %add3A_47, %concatenate3A_51 : vector<64x2048xf32>
    %broadcast_in_dim3A_53 = arith.constant 0.000000e+00 : f32
    %broadcast_in_dim3A_54 = vector.broadcast %broadcast_in_dim3A_53 : f32 to vector<64x128xf32>
    %slice3A_55 = vector.extract_strided_slice %add3A_52 {offsets = [0, 0], sizes = [64, 1920], strides = [1, 1]} : vector<64x2048xf32> to vector<64x1920xf32>
    %concatenate3A_56 = tpu.concatenate %broadcast_in_dim3A_54, %slice3A_55 in 1 : vector<64x128xf32>, vector<64x1920xf32> -> vector<64x2048xf32>
    %add3A_57 = arith.addf %add3A_52, %concatenate3A_56 : vector<64x2048xf32>
    %broadcast_in_dim3A_58 = arith.constant 0.000000e+00 : f32
    %broadcast_in_dim3A_59 = vector.broadcast %broadcast_in_dim3A_58 : f32 to vector<64x256xf32>
    %slice3A_60 = vector.extract_strided_slice %add3A_57 {offsets = [0, 0], sizes = [64, 1792], strides = [1, 1]} : vector<64x2048xf32> to vector<64x1792xf32>
    %concatenate3A_61 = tpu.concatenate %broadcast_in_dim3A_59, %slice3A_60 in 1 : vector<64x256xf32>, vector<64x1792xf32> -> vector<64x2048xf32>
    %add3A_62 = arith.addf %add3A_57, %concatenate3A_61 : vector<64x2048xf32>
    %broadcast_in_dim3A_63 = arith.constant 0.000000e+00 : f32
    %broadcast_in_dim3A_64 = vector.broadcast %broadcast_in_dim3A_63 : f32 to vector<64x512xf32>
    %slice3A_65 = vector.extract_strided_slice %add3A_62 {offsets = [0, 0], sizes = [64, 1536], strides = [1, 1]} : vector<64x2048xf32> to vector<64x1536xf32>
    %concatenate3A_66 = tpu.concatenate %broadcast_in_dim3A_64, %slice3A_65 in 1 : vector<64x512xf32>, vector<64x1536xf32> -> vector<64x2048xf32>
    %add3A_67 = arith.addf %add3A_62, %concatenate3A_66 : vector<64x2048xf32>
    %broadcast_in_dim3A_68 = arith.constant 0.000000e+00 : f32
    %broadcast_in_dim3A_69 = vector.broadcast %broadcast_in_dim3A_68 : f32 to vector<64x1024xf32>
    %slice3A_70 = vector.extract_strided_slice %add3A_67 {offsets = [0, 0], sizes = [64, 1024], strides = [1, 1]} : vector<64x2048xf32> to vector<64x1024xf32>
    %concatenate3A_71 = tpu.concatenate %broadcast_in_dim3A_69, %slice3A_70 in 1 : vector<64x1024xf32>, vector<64x1024xf32> -> vector<64x2048xf32>
    %add3A_72 = arith.addf %add3A_67, %concatenate3A_71 : vector<64x2048xf32>
    %sub3A_73 = arith.constant 1.000000e+00 : f32
    %sub3A_74 = vector.broadcast %sub3A_73 : f32 to vector<64x2048xf32>
    %sub3A_75 = arith.subf %add3A_72, %sub3A_74 : vector<64x2048xf32>
    %mul3A = arith.mulf %sub3A_75, %convert_element_type3A_20 : vector<64x2048xf32>
    %reduce_sum3A_76 = arith.constant dense<0.000000e+00> : vector<2048xf32>
    %reduce_sum3A_77 = vector.multi_reduction <add>, %mul3A, %reduce_sum3A_76 [0] : vector<64x2048xf32> to vector<2048xf32>
    %lt3A = arith.constant 4.000000e+01 : f32
    %lt3A_78 = vector.broadcast %lt3A : f32 to vector<2048xf32>
    %lt3A_79 = arith.cmpf olt, %reduce_sum3A_77, %lt3A_78 : vector<2048xf32>
    %mul3A_80 = arith.mulf %div3A_10, %convert_element_type3A_20 : vector<64x2048xf32>
    %reduce_sum3A_81 = arith.constant dense<0.000000e+00> : vector<2048xf32>
    %reduce_sum3A_82 = vector.multi_reduction <add>, %mul3A_80, %reduce_sum3A_81 [0] : vector<64x2048xf32> to vector<2048xf32>
    %reduce_min3A_83 = arith.constant dense<2147483647> : vector<2048xi32>
    %reduce_min3A_84 = vector.multi_reduction <minsi>, %select_n3A, %reduce_min3A_83 [0] : vector<64x2048xi32> to vector<2048xi32>
    %mul3A_85 = arith.constant 40 : i32
    %mul3A_86 = vector.broadcast %mul3A_85 : i32 to vector<2048xi32>
    %mul3A_87 = arith.muli %reduce_min3A_84, %mul3A_86 : vector<2048xi32>
    %convert_element_type3A_88 = arith.fptosi %reduce_sum3A_77 : vector<2048xf32> to vector<2048xi32>
    %add3A_89 = arith.addi %mul3A_87, %convert_element_type3A_88 : vector<2048xi32>
    %jit3A_90 = arith.constant 2560 : i32
    %broadcast_in_dim3A_91 = vector.broadcast %jit3A_90 : i32 to vector<2048xi32>
    %select_n3A_92 = arith.select %lt3A_79, %add3A_89, %broadcast_in_dim3A_91 : vector<2048xi1>, vector<2048xi32>
    %reduce_sum3A_93 = arith.constant dense<0.000000e+00> : vector<64xf32>
    %reduce_sum3A_94 = vector.multi_reduction <add>, %div3A_10, %reduce_sum3A_93 [1] : vector<64x2048xf32> to vector<64xf32>
    %broadcast_in_dim3A_95 = vector.shape_cast %reduce_sum3A_94 : vector<64xf32> to vector<64x1xf32>
    %div3A_96 = arith.constant 2.048000e+03 : f32
    %div3A_97 = vector.broadcast %div3A_96 : f32 to vector<64x1xf32>
    %div3A_98 = arith.divf %broadcast_in_dim3A_95, %div3A_97 : vector<64x1xf32>
    %reduce_sum3A_99 = arith.constant dense<0.000000e+00> : vector<64xf32>
    %reduce_sum3A_100 = vector.multi_reduction <add>, %convert_element_type3A_20, %reduce_sum3A_99 [1] : vector<64x2048xf32> to vector<64xf32>
    %broadcast_in_dim3A_101 = vector.shape_cast %reduce_sum3A_100 : vector<64xf32> to vector<64x1xf32>
    %div3A_102 = arith.constant 2.048000e+03 : f32
    %div3A_103 = vector.broadcast %div3A_102 : f32 to vector<64x1xf32>
    %div3A_104 = arith.divf %broadcast_in_dim3A_101, %div3A_103 : vector<64x1xf32>
    %mul3A_105 = arith.mulf %div3A_98, %div3A_104 : vector<64x1xf32>
    %reduce_sum3A_106 = arith.constant dense<0.000000e+00> : vector<1xf32>
    %reduce_sum3A_107 = vector.multi_reduction <add>, %mul3A_105, %reduce_sum3A_106 [0] : vector<64x1xf32> to vector<1xf32>
    %broadcast_in_dim3A_108 = vector.shape_cast %reduce_sum3A_107 : vector<1xf32> to vector<1x1xf32>
    %mul3A_109 = arith.constant 6.400000e+01 : f32
    %mul3A_110 = vector.broadcast %mul3A_109 : f32 to vector<1x1xf32>
    %mul3A_111 = arith.mulf %mul3A_110, %broadcast_in_dim3A_108 : vector<1x1xf32>
    %swap3A = arith.constant 0 : index
    %swap3A_112 = arith.constant 0 : index
    %swap3A_113 = vector.load %arg4[%swap3A, %swap3A_112] : memref<1x1xf32, #tpu.memory_space<vmem>>, vector<1x1xf32>
    tpu.vector_store %arg4[%swap3A, %swap3A_112], %mul3A_111 {strides = array<i32>} : memref<1x1xf32, #tpu.memory_space<vmem>>, vector<1x1xf32>,
    %swap3A_114 = arith.constant 0 : index
    %swap3A_115 = vector.load %arg2[%swap3A_114] : memref<2048xi32, #tpu.memory_space<vmem>>, vector<2048xi32>
    tpu.vector_store %arg2[%swap3A_114], %select_n3A_92 {strides = array<i32>} : memref<2048xi32, #tpu.memory_space<vmem>>, vector<2048xi32>,
    %swap3A_116 = arith.constant 0 : index
    %swap3A_117 = vector.load %arg3[%swap3A_116] : memref<2048xf32, #tpu.memory_space<vmem>>, vector<2048xf32>
    tpu.vector_store %arg3[%swap3A_116], %reduce_sum3A_82 {strides = array<i32>} : memref<2048xf32, #tpu.memory_space<vmem>>, vector<2048xf32>,
    return
  }
}

module attributes {stable_mosaic.version = 14 : i64} {
  func.func @_ffn_body(%arg0: i32, %arg1: memref<80x768xf32, #tpu.memory_space<vmem>>, %arg2: memref<2x768x768xf32, #tpu.memory_space<vmem>>, %arg3: memref<64x768xf32, #tpu.memory_space<vmem>>, %arg4: memref<2x768x768xf32, #tpu.memory_space<vmem>>, %arg5: memref<64x768xf32, #tpu.memory_space<vmem>>, %arg6: memref<2560xf32, #tpu.memory_space<smem>>, %arg7: memref<80x768xf32, #tpu.memory_space<vmem>>) attributes {dimension_semantics = [#tpu.dimension_semantics<arbitrary>], iteration_bounds = array<i64: 33>, scalar_prefetch = 0 : i64, scratch_operands = 0 : i64, tpu.core_type = #tpu.core_type<tc>, window_params = [{transform_indices = @transform_0, window_bounds = array<i64: 80, 768>}, {transform_indices = @transform_1, window_bounds = array<i64: 2, 768, 768>}, {pipeline_mode = #tpu.pipeline_mode<synchronous>, transform_indices = @transform_2, window_bounds = array<i64: 64, 768>}, {transform_indices = @transform_3, window_bounds = array<i64: 2, 768, 768>}, {pipeline_mode = #tpu.pipeline_mode<synchronous>, transform_indices = @transform_4, window_bounds = array<i64: 64, 768>}, {transform_indices = @transform_5, window_bounds = array<i64: 2560>}, {transform_indices = @transform_6, window_bounds = array<i64: 80, 768>}]} {
    %lt3A = arith.constant 32 : i32
    %lt3A_0 = arith.cmpi slt, %arg0, %lt3A : i32
    %convert_element_type3A = arith.extui %lt3A_0 : i1 to i32
    %cond3A = arith.constant 0 : i32
    %cond3A_1 = arith.cmpi ne, %convert_element_type3A, %cond3A : i32
    scf.if %cond3A_1 {
      %get3A = arith.constant 0 : index
      %get3A_6 = arith.constant 0 : index
      %get3A_7 = vector.load %arg1[%get3A, %get3A_6] : memref<80x768xf32, #tpu.memory_space<vmem>>, vector<40x768xf32>
      %get3A_8 = arith.constant 0 : index
      %get3A_9 = arith.constant 0 : index
      %get3A_10 = arith.constant 0 : index
      %get3A_11 = vector.load %arg2[%get3A_8, %get3A_9, %get3A_10] : memref<2x768x768xf32, #tpu.memory_space<vmem>>, vector<1x768x768xf32>
      %get3A_12 = vector.shape_cast %get3A_11 : vector<1x768x768xf32> to vector<768x768xf32>
      %dot_general3A = arith.constant dense<0.000000e+00> : vector<40x768xf32>
      %dot_general3A_13 = tpu.matmul %get3A_7, %get3A_12, %dot_general3A {dimension_numbers = #tpu.dot_dimension_numbers<[1], [0], [0], [1], [0, 0, 1, 1], [], []>, transpose_lhs_hint = false} : vector<40x768xf32>, vector<768x768xf32>, vector<40x768xf32> -> vector<40x768xf32>
      %mul3A = arith.constant 2 : i32
      %mul3A_14 = arith.muli %arg0, %mul3A : i32
      %add3A = arith.constant 0 : i32
      %add3A_15 = arith.addi %mul3A_14, %add3A : i32
      %get3A_16 = arith.index_cast %add3A_15 : i32 to index
      %get3A_17 = arith.constant 0 : index
      %get3A_18 = vector.load %arg3[%get3A_16, %get3A_17] : memref<64x768xf32, #tpu.memory_space<vmem>>, vector<1x768xf32>
      %add3A_19 = vector.broadcast %get3A_18 : vector<1x768xf32> to vector<40x768xf32>
      %add3A_20 = arith.addf %dot_general3A_13, %add3A_19 : vector<40x768xf32>
      %max3A = arith.constant 0.000000e+00 : f32
      %max3A_21 = vector.broadcast %max3A : f32 to vector<40x768xf32>
      %max3A_22 = arith.maximumf %add3A_20, %max3A_21 : vector<40x768xf32>
      %get3A_23 = arith.constant 0 : index
      %get3A_24 = arith.constant 0 : index
      %get3A_25 = arith.constant 0 : index
      %get3A_26 = vector.load %arg4[%get3A_23, %get3A_24, %get3A_25] : memref<2x768x768xf32, #tpu.memory_space<vmem>>, vector<1x768x768xf32>
      %get3A_27 = vector.shape_cast %get3A_26 : vector<1x768x768xf32> to vector<768x768xf32>
      %dot_general3A_28 = arith.constant dense<0.000000e+00> : vector<40x768xf32>
      %dot_general3A_29 = tpu.matmul %max3A_22, %get3A_27, %dot_general3A_28 {dimension_numbers = #tpu.dot_dimension_numbers<[1], [0], [0], [1], [0, 0, 1, 1], [], []>, transpose_lhs_hint = false} : vector<40x768xf32>, vector<768x768xf32>, vector<40x768xf32> -> vector<40x768xf32>
      %mul3A_30 = arith.constant 2 : i32
      %mul3A_31 = arith.muli %arg0, %mul3A_30 : i32
      %add3A_32 = arith.constant 0 : i32
      %add3A_33 = arith.addi %mul3A_31, %add3A_32 : i32
      %get3A_34 = arith.index_cast %add3A_33 : i32 to index
      %get3A_35 = arith.constant 0 : index
      %get3A_36 = vector.load %arg5[%get3A_34, %get3A_35] : memref<64x768xf32, #tpu.memory_space<vmem>>, vector<1x768xf32>
      %add3A_37 = vector.broadcast %get3A_36 : vector<1x768xf32> to vector<40x768xf32>
      %add3A_38 = arith.addf %dot_general3A_29, %add3A_37 : vector<40x768xf32>
      %mul3A_39 = arith.constant 2 : i32
      %mul3A_40 = arith.muli %arg0, %mul3A_39 : i32
      %add3A_41 = arith.constant 0 : i32
      %add3A_42 = arith.addi %mul3A_40, %add3A_41 : i32
      %mul3A_43 = arith.constant 40 : i32
      %mul3A_44 = arith.muli %add3A_42, %mul3A_43 : i32
      %slice3A = vector.extract_strided_slice %add3A_38 {offsets = [0, 0], sizes = [1, 768], strides = [1, 1]} : vector<40x768xf32> to vector<1x768xf32>
      %add3A_45 = arith.constant 0 : i32
      %add3A_46 = arith.addi %mul3A_44, %add3A_45 : i32
      %get3A_47 = arith.index_cast %add3A_46 : i32 to index
      %get3A_48 = memref.load %arg6[%get3A_47] : memref<2560xf32, #tpu.memory_space<smem>>
      %mul3A_49 = vector.broadcast %get3A_48 : f32 to vector<1x768xf32>
      %mul3A_50 = arith.mulf %slice3A, %mul3A_49 : vector<1x768xf32>
      %swap3A = arith.constant 0 : index
      %swap3A_51 = arith.constant 0 : index
      %swap3A_52 = vector.load %arg7[%swap3A, %swap3A_51] : memref<80x768xf32, #tpu.memory_space<vmem>>, vector<1x768xf32>
      tpu.vector_store %arg7[%swap3A, %swap3A_51], %mul3A_50 {strides = array<i32>} : memref<80x768xf32, #tpu.memory_space<vmem>>, vector<1x768xf32>,
      %slice3A_53 = vector.extract_strided_slice %add3A_38 {offsets = [1, 0], sizes = [1, 768], strides = [1, 1]} : vector<40x768xf32> to vector<1x768xf32>
      %add3A_54 = arith.constant 1 : i32
      %add3A_55 = arith.addi %mul3A_44, %add3A_54 : i32
      %get3A_56 = arith.index_cast %add3A_55 : i32 to index
      %get3A_57 = memref.load %arg6[%get3A_56] : memref<2560xf32, #tpu.memory_space<smem>>
      %mul3A_58 = vector.broadcast %get3A_57 : f32 to vector<1x768xf32>
      %mul3A_59 = arith.mulf %slice3A_53, %mul3A_58 : vector<1x768xf32>
      %swap3A_60 = arith.constant 1 : index
      %swap3A_61 = arith.constant 0 : index
      %swap3A_62 = vector.load %arg7[%swap3A_60, %swap3A_61] : memref<80x768xf32, #tpu.memory_space<vmem>>, vector<1x768xf32>
      tpu.vector_store %arg7[%swap3A_60, %swap3A_61], %mul3A_59 {strides = array<i32>} : memref<80x768xf32, #tpu.memory_space<vmem>>, vector<1x768xf32>,
      %slice3A_63 = vector.extract_strided_slice %add3A_38 {offsets = [2, 0], sizes = [1, 768], strides = [1, 1]} : vector<40x768xf32> to vector<1x768xf32>
      %add3A_64 = arith.constant 2 : i32
      %add3A_65 = arith.addi %mul3A_44, %add3A_64 : i32
      %get3A_66 = arith.index_cast %add3A_65 : i32 to index
      %get3A_67 = memref.load %arg6[%get3A_66] : memref<2560xf32, #tpu.memory_space<smem>>
      %mul3A_68 = vector.broadcast %get3A_67 : f32 to vector<1x768xf32>
      %mul3A_69 = arith.mulf %slice3A_63, %mul3A_68 : vector<1x768xf32>
      %swap3A_70 = arith.constant 2 : index
      %swap3A_71 = arith.constant 0 : index
      %swap3A_72 = vector.load %arg7[%swap3A_70, %swap3A_71] : memref<80x768xf32, #tpu.memory_space<vmem>>, vector<1x768xf32>
      tpu.vector_store %arg7[%swap3A_70, %swap3A_71], %mul3A_69 {strides = array<i32>} : memref<80x768xf32, #tpu.memory_space<vmem>>, vector<1x768xf32>,
      %slice3A_73 = vector.extract_strided_slice %add3A_38 {offsets = [3, 0], sizes = [1, 768], strides = [1, 1]} : vector<40x768xf32> to vector<1x768xf32>
      %add3A_74 = arith.constant 3 : i32
      %add3A_75 = arith.addi %mul3A_44, %add3A_74 : i32
      %get3A_76 = arith.index_cast %add3A_75 : i32 to index
      %get3A_77 = memref.load %arg6[%get3A_76] : memref<2560xf32, #tpu.memory_space<smem>>
      %mul3A_78 = vector.broadcast %get3A_77 : f32 to vector<1x768xf32>
      %mul3A_79 = arith.mulf %slice3A_73, %mul3A_78 : vector<1x768xf32>
      %swap3A_80 = arith.constant 3 : index
      %swap3A_81 = arith.constant 0 : index
      %swap3A_82 = vector.load %arg7[%swap3A_80, %swap3A_81] : memref<80x768xf32, #tpu.memory_space<vmem>>, vector<1x768xf32>
      tpu.vector_store %arg7[%swap3A_80, %swap3A_81], %mul3A_79 {strides = array<i32>} : memref<80x768xf32, #tpu.memory_space<vmem>>, vector<1x768xf32>,
      %slice3A_83 = vector.extract_strided_slice %add3A_38 {offsets = [4, 0], sizes = [1, 768], strides = [1, 1]} : vector<40x768xf32> to vector<1x768xf32>
      %add3A_84 = arith.constant 4 : i32
      %add3A_85 = arith.addi %mul3A_44, %add3A_84 : i32
      %get3A_86 = arith.index_cast %add3A_85 : i32 to index
      %get3A_87 = memref.load %arg6[%get3A_86] : memref<2560xf32, #tpu.memory_space<smem>>
      %mul3A_88 = vector.broadcast %get3A_87 : f32 to vector<1x768xf32>
      %mul3A_89 = arith.mulf %slice3A_83, %mul3A_88 : vector<1x768xf32>
      %swap3A_90 = arith.constant 4 : index
      %swap3A_91 = arith.constant 0 : index
      %swap3A_92 = vector.load %arg7[%swap3A_90, %swap3A_91] : memref<80x768xf32, #tpu.memory_space<vmem>>, vector<1x768xf32>
      tpu.vector_store %arg7[%swap3A_90, %swap3A_91], %mul3A_89 {strides = array<i32>} : memref<80x768xf32, #tpu.memory_space<vmem>>, vector<1x768xf32>,
      %slice3A_93 = vector.extract_strided_slice %add3A_38 {offsets = [5, 0], sizes = [1, 768], strides = [1, 1]} : vector<40x768xf32> to vector<1x768xf32>
      %add3A_94 = arith.constant 5 : i32
      %add3A_95 = arith.addi %mul3A_44, %add3A_94 : i32
      %get3A_96 = arith.index_cast %add3A_95 : i32 to index
      %get3A_97 = memref.load %arg6[%get3A_96] : memref<2560xf32, #tpu.memory_space<smem>>
      %mul3A_98 = vector.broadcast %get3A_97 : f32 to vector<1x768xf32>
      %mul3A_99 = arith.mulf %slice3A_93, %mul3A_98 : vector<1x768xf32>
      %swap3A_100 = arith.constant 5 : index
      %swap3A_101 = arith.constant 0 : index
      %swap3A_102 = vector.load %arg7[%swap3A_100, %swap3A_101] : memref<80x768xf32, #tpu.memory_space<vmem>>, vector<1x768xf32>
      tpu.vector_store %arg7[%swap3A_100, %swap3A_101], %mul3A_99 {strides = array<i32>} : memref<80x768xf32, #tpu.memory_space<vmem>>, vector<1x768xf32>,
      %slice3A_103 = vector.extract_strided_slice %add3A_38 {offsets = [6, 0], sizes = [1, 768], strides = [1, 1]} : vector<40x768xf32> to vector<1x768xf32>
      %add3A_104 = arith.constant 6 : i32
      %add3A_105 = arith.addi %mul3A_44, %add3A_104 : i32
      %get3A_106 = arith.index_cast %add3A_105 : i32 to index
      %get3A_107 = memref.load %arg6[%get3A_106] : memref<2560xf32, #tpu.memory_space<smem>>
      %mul3A_108 = vector.broadcast %get3A_107 : f32 to vector<1x768xf32>
      %mul3A_109 = arith.mulf %slice3A_103, %mul3A_108 : vector<1x768xf32>
      %swap3A_110 = arith.constant 6 : index
      %swap3A_111 = arith.constant 0 : index
      %swap3A_112 = vector.load %arg7[%swap3A_110, %swap3A_111] : memref<80x768xf32, #tpu.memory_space<vmem>>, vector<1x768xf32>
      tpu.vector_store %arg7[%swap3A_110, %swap3A_111], %mul3A_109 {strides = array<i32>} : memref<80x768xf32, #tpu.memory_space<vmem>>, vector<1x768xf32>,
      %slice3A_113 = vector.extract_strided_slice %add3A_38 {offsets = [7, 0], sizes = [1, 768], strides = [1, 1]} : vector<40x768xf32> to vector<1x768xf32>
      %add3A_114 = arith.constant 7 : i32
      %add3A_115 = arith.addi %mul3A_44, %add3A_114 : i32
      %get3A_116 = arith.index_cast %add3A_115 : i32 to index
      %get3A_117 = memref.load %arg6[%get3A_116] : memref<2560xf32, #tpu.memory_space<smem>>
      %mul3A_118 = vector.broadcast %get3A_117 : f32 to vector<1x768xf32>
      %mul3A_119 = arith.mulf %slice3A_113, %mul3A_118 : vector<1x768xf32>
      %swap3A_120 = arith.constant 7 : index
      %swap3A_121 = arith.constant 0 : index
      %swap3A_122 = vector.load %arg7[%swap3A_120, %swap3A_121] : memref<80x768xf32, #tpu.memory_space<vmem>>, vector<1x768xf32>
      tpu.vector_store %arg7[%swap3A_120, %swap3A_121], %mul3A_119 {strides = array<i32>} : memref<80x768xf32, #tpu.memory_space<vmem>>, vector<1x768xf32>,
      %slice3A_123 = vector.extract_strided_slice %add3A_38 {offsets = [8, 0], sizes = [1, 768], strides = [1, 1]} : vector<40x768xf32> to vector<1x768xf32>
      %add3A_124 = arith.constant 8 : i32
      %add3A_125 = arith.addi %mul3A_44, %add3A_124 : i32
      %get3A_126 = arith.index_cast %add3A_125 : i32 to index
      %get3A_127 = memref.load %arg6[%get3A_126] : memref<2560xf32, #tpu.memory_space<smem>>
      %mul3A_128 = vector.broadcast %get3A_127 : f32 to vector<1x768xf32>
      %mul3A_129 = arith.mulf %slice3A_123, %mul3A_128 : vector<1x768xf32>
      %swap3A_130 = arith.constant 8 : index
      %swap3A_131 = arith.constant 0 : index
      %swap3A_132 = vector.load %arg7[%swap3A_130, %swap3A_131] : memref<80x768xf32, #tpu.memory_space<vmem>>, vector<1x768xf32>
      tpu.vector_store %arg7[%swap3A_130, %swap3A_131], %mul3A_129 {strides = array<i32>} : memref<80x768xf32, #tpu.memory_space<vmem>>, vector<1x768xf32>,
      %slice3A_133 = vector.extract_strided_slice %add3A_38 {offsets = [9, 0], sizes = [1, 768], strides = [1, 1]} : vector<40x768xf32> to vector<1x768xf32>
      %add3A_134 = arith.constant 9 : i32
      %add3A_135 = arith.addi %mul3A_44, %add3A_134 : i32
      %get3A_136 = arith.index_cast %add3A_135 : i32 to index
      %get3A_137 = memref.load %arg6[%get3A_136] : memref<2560xf32, #tpu.memory_space<smem>>
      %mul3A_138 = vector.broadcast %get3A_137 : f32 to vector<1x768xf32>
      %mul3A_139 = arith.mulf %slice3A_133, %mul3A_138 : vector<1x768xf32>
      %swap3A_140 = arith.constant 9 : index
      %swap3A_141 = arith.constant 0 : index
      %swap3A_142 = vector.load %arg7[%swap3A_140, %swap3A_141] : memref<80x768xf32, #tpu.memory_space<vmem>>, vector<1x768xf32>
      tpu.vector_store %arg7[%swap3A_140, %swap3A_141], %mul3A_139 {strides = array<i32>} : memref<80x768xf32, #tpu.memory_space<vmem>>, vector<1x768xf32>,
      %slice3A_143 = vector.extract_strided_slice %add3A_38 {offsets = [10, 0], sizes = [1, 768], strides = [1, 1]} : vector<40x768xf32> to vector<1x768xf32>
      %add3A_144 = arith.constant 10 : i32
      %add3A_145 = arith.addi %mul3A_44, %add3A_144 : i32
      %get3A_146 = arith.index_cast %add3A_145 : i32 to index
      %get3A_147 = memref.load %arg6[%get3A_146] : memref<2560xf32, #tpu.memory_space<smem>>
      %mul3A_148 = vector.broadcast %get3A_147 : f32 to vector<1x768xf32>
      %mul3A_149 = arith.mulf %slice3A_143, %mul3A_148 : vector<1x768xf32>
      %swap3A_150 = arith.constant 10 : index
      %swap3A_151 = arith.constant 0 : index
      %swap3A_152 = vector.load %arg7[%swap3A_150, %swap3A_151] : memref<80x768xf32, #tpu.memory_space<vmem>>, vector<1x768xf32>
      tpu.vector_store %arg7[%swap3A_150, %swap3A_151], %mul3A_149 {strides = array<i32>} : memref<80x768xf32, #tpu.memory_space<vmem>>, vector<1x768xf32>,
      %slice3A_153 = vector.extract_strided_slice %add3A_38 {offsets = [11, 0], sizes = [1, 768], strides = [1, 1]} : vector<40x768xf32> to vector<1x768xf32>
      %add3A_154 = arith.constant 11 : i32
      %add3A_155 = arith.addi %mul3A_44, %add3A_154 : i32
      %get3A_156 = arith.index_cast %add3A_155 : i32 to index
      %get3A_157 = memref.load %arg6[%get3A_156] : memref<2560xf32, #tpu.memory_space<smem>>
      %mul3A_158 = vector.broadcast %get3A_157 : f32 to vector<1x768xf32>
      %mul3A_159 = arith.mulf %slice3A_153, %mul3A_158 : vector<1x768xf32>
      %swap3A_160 = arith.constant 11 : index
      %swap3A_161 = arith.constant 0 : index
      %swap3A_162 = vector.load %arg7[%swap3A_160, %swap3A_161] : memref<80x768xf32, #tpu.memory_space<vmem>>, vector<1x768xf32>
      tpu.vector_store %arg7[%swap3A_160, %swap3A_161], %mul3A_159 {strides = array<i32>} : memref<80x768xf32, #tpu.memory_space<vmem>>, vector<1x768xf32>,
      %slice3A_163 = vector.extract_strided_slice %add3A_38 {offsets = [12, 0], sizes = [1, 768], strides = [1, 1]} : vector<40x768xf32> to vector<1x768xf32>
      %add3A_164 = arith.constant 12 : i32
      %add3A_165 = arith.addi %mul3A_44, %add3A_164 : i32
      %get3A_166 = arith.index_cast %add3A_165 : i32 to index
      %get3A_167 = memref.load %arg6[%get3A_166] : memref<2560xf32, #tpu.memory_space<smem>>
      %mul3A_168 = vector.broadcast %get3A_167 : f32 to vector<1x768xf32>
      %mul3A_169 = arith.mulf %slice3A_163, %mul3A_168 : vector<1x768xf32>
      %swap3A_170 = arith.constant 12 : index
      %swap3A_171 = arith.constant 0 : index
      %swap3A_172 = vector.load %arg7[%swap3A_170, %swap3A_171] : memref<80x768xf32, #tpu.memory_space<vmem>>, vector<1x768xf32>
      tpu.vector_store %arg7[%swap3A_170, %swap3A_171], %mul3A_169 {strides = array<i32>} : memref<80x768xf32, #tpu.memory_space<vmem>>, vector<1x768xf32>,
      %slice3A_173 = vector.extract_strided_slice %add3A_38 {offsets = [13, 0], sizes = [1, 768], strides = [1, 1]} : vector<40x768xf32> to vector<1x768xf32>
      %add3A_174 = arith.constant 13 : i32
      %add3A_175 = arith.addi %mul3A_44, %add3A_174 : i32
      %get3A_176 = arith.index_cast %add3A_175 : i32 to index
      %get3A_177 = memref.load %arg6[%get3A_176] : memref<2560xf32, #tpu.memory_space<smem>>
      %mul3A_178 = vector.broadcast %get3A_177 : f32 to vector<1x768xf32>
      %mul3A_179 = arith.mulf %slice3A_173, %mul3A_178 : vector<1x768xf32>
      %swap3A_180 = arith.constant 13 : index
      %swap3A_181 = arith.constant 0 : index
      %swap3A_182 = vector.load %arg7[%swap3A_180, %swap3A_181] : memref<80x768xf32, #tpu.memory_space<vmem>>, vector<1x768xf32>
      tpu.vector_store %arg7[%swap3A_180, %swap3A_181], %mul3A_179 {strides = array<i32>} : memref<80x768xf32, #tpu.memory_space<vmem>>, vector<1x768xf32>,
      %slice3A_183 = vector.extract_strided_slice %add3A_38 {offsets = [14, 0], sizes = [1, 768], strides = [1, 1]} : vector<40x768xf32> to vector<1x768xf32>
      %add3A_184 = arith.constant 14 : i32
      %add3A_185 = arith.addi %mul3A_44, %add3A_184 : i32
      %get3A_186 = arith.index_cast %add3A_185 : i32 to index
      %get3A_187 = memref.load %arg6[%get3A_186] : memref<2560xf32, #tpu.memory_space<smem>>
      %mul3A_188 = vector.broadcast %get3A_187 : f32 to vector<1x768xf32>
      %mul3A_189 = arith.mulf %slice3A_183, %mul3A_188 : vector<1x768xf32>
      %swap3A_190 = arith.constant 14 : index
      %swap3A_191 = arith.constant 0 : index
      %swap3A_192 = vector.load %arg7[%swap3A_190, %swap3A_191] : memref<80x768xf32, #tpu.memory_space<vmem>>, vector<1x768xf32>
      tpu.vector_store %arg7[%swap3A_190, %swap3A_191], %mul3A_189 {strides = array<i32>} : memref<80x768xf32, #tpu.memory_space<vmem>>, vector<1x768xf32>,
      %slice3A_193 = vector.extract_strided_slice %add3A_38 {offsets = [15, 0], sizes = [1, 768], strides = [1, 1]} : vector<40x768xf32> to vector<1x768xf32>
      %add3A_194 = arith.constant 15 : i32
      %add3A_195 = arith.addi %mul3A_44, %add3A_194 : i32
      %get3A_196 = arith.index_cast %add3A_195 : i32 to index
      %get3A_197 = memref.load %arg6[%get3A_196] : memref<2560xf32, #tpu.memory_space<smem>>
      %mul3A_198 = vector.broadcast %get3A_197 : f32 to vector<1x768xf32>
      %mul3A_199 = arith.mulf %slice3A_193, %mul3A_198 : vector<1x768xf32>
      %swap3A_200 = arith.constant 15 : index
      %swap3A_201 = arith.constant 0 : index
      %swap3A_202 = vector.load %arg7[%swap3A_200, %swap3A_201] : memref<80x768xf32, #tpu.memory_space<vmem>>, vector<1x768xf32>
      tpu.vector_store %arg7[%swap3A_200, %swap3A_201], %mul3A_199 {strides = array<i32>} : memref<80x768xf32, #tpu.memory_space<vmem>>, vector<1x768xf32>,
      %slice3A_203 = vector.extract_strided_slice %add3A_38 {offsets = [16, 0], sizes = [1, 768], strides = [1, 1]} : vector<40x768xf32> to vector<1x768xf32>
      %add3A_204 = arith.constant 16 : i32
      %add3A_205 = arith.addi %mul3A_44, %add3A_204 : i32
      %get3A_206 = arith.index_cast %add3A_205 : i32 to index
      %get3A_207 = memref.load %arg6[%get3A_206] : memref<2560xf32, #tpu.memory_space<smem>>
      %mul3A_208 = vector.broadcast %get3A_207 : f32 to vector<1x768xf32>
      %mul3A_209 = arith.mulf %slice3A_203, %mul3A_208 : vector<1x768xf32>
      %swap3A_210 = arith.constant 16 : index
      %swap3A_211 = arith.constant 0 : index
      %swap3A_212 = vector.load %arg7[%swap3A_210, %swap3A_211] : memref<80x768xf32, #tpu.memory_space<vmem>>, vector<1x768xf32>
      tpu.vector_store %arg7[%swap3A_210, %swap3A_211], %mul3A_209 {strides = array<i32>} : memref<80x768xf32, #tpu.memory_space<vmem>>, vector<1x768xf32>,
      %slice3A_213 = vector.extract_strided_slice %add3A_38 {offsets = [17, 0], sizes = [1, 768], strides = [1, 1]} : vector<40x768xf32> to vector<1x768xf32>
      %add3A_214 = arith.constant 17 : i32
      %add3A_215 = arith.addi %mul3A_44, %add3A_214 : i32
      %get3A_216 = arith.index_cast %add3A_215 : i32 to index
      %get3A_217 = memref.load %arg6[%get3A_216] : memref<2560xf32, #tpu.memory_space<smem>>
      %mul3A_218 = vector.broadcast %get3A_217 : f32 to vector<1x768xf32>
      %mul3A_219 = arith.mulf %slice3A_213, %mul3A_218 : vector<1x768xf32>
      %swap3A_220 = arith.constant 17 : index
      %swap3A_221 = arith.constant 0 : index
      %swap3A_222 = vector.load %arg7[%swap3A_220, %swap3A_221] : memref<80x768xf32, #tpu.memory_space<vmem>>, vector<1x768xf32>
      tpu.vector_store %arg7[%swap3A_220, %swap3A_221], %mul3A_219 {strides = array<i32>} : memref<80x768xf32, #tpu.memory_space<vmem>>, vector<1x768xf32>,
      %slice3A_223 = vector.extract_strided_slice %add3A_38 {offsets = [18, 0], sizes = [1, 768], strides = [1, 1]} : vector<40x768xf32> to vector<1x768xf32>
      %add3A_224 = arith.constant 18 : i32
      %add3A_225 = arith.addi %mul3A_44, %add3A_224 : i32
      %get3A_226 = arith.index_cast %add3A_225 : i32 to index
      %get3A_227 = memref.load %arg6[%get3A_226] : memref<2560xf32, #tpu.memory_space<smem>>
      %mul3A_228 = vector.broadcast %get3A_227 : f32 to vector<1x768xf32>
      %mul3A_229 = arith.mulf %slice3A_223, %mul3A_228 : vector<1x768xf32>
      %swap3A_230 = arith.constant 18 : index
      %swap3A_231 = arith.constant 0 : index
      %swap3A_232 = vector.load %arg7[%swap3A_230, %swap3A_231] : memref<80x768xf32, #tpu.memory_space<vmem>>, vector<1x768xf32>
      tpu.vector_store %arg7[%swap3A_230, %swap3A_231], %mul3A_229 {strides = array<i32>} : memref<80x768xf32, #tpu.memory_space<vmem>>, vector<1x768xf32>,
      %slice3A_233 = vector.extract_strided_slice %add3A_38 {offsets = [19, 0], sizes = [1, 768], strides = [1, 1]} : vector<40x768xf32> to vector<1x768xf32>
      %add3A_234 = arith.constant 19 : i32
      %add3A_235 = arith.addi %mul3A_44, %add3A_234 : i32
      %get3A_236 = arith.index_cast %add3A_235 : i32 to index
      %get3A_237 = memref.load %arg6[%get3A_236] : memref<2560xf32, #tpu.memory_space<smem>>
      %mul3A_238 = vector.broadcast %get3A_237 : f32 to vector<1x768xf32>
      %mul3A_239 = arith.mulf %slice3A_233, %mul3A_238 : vector<1x768xf32>
      %swap3A_240 = arith.constant 19 : index
      %swap3A_241 = arith.constant 0 : index
      %swap3A_242 = vector.load %arg7[%swap3A_240, %swap3A_241] : memref<80x768xf32, #tpu.memory_space<vmem>>, vector<1x768xf32>
      tpu.vector_store %arg7[%swap3A_240, %swap3A_241], %mul3A_239 {strides = array<i32>} : memref<80x768xf32, #tpu.memory_space<vmem>>, vector<1x768xf32>,
      %slice3A_243 = vector.extract_strided_slice %add3A_38 {offsets = [20, 0], sizes = [1, 768], strides = [1, 1]} : vector<40x768xf32> to vector<1x768xf32>
      %add3A_244 = arith.constant 20 : i32
      %add3A_245 = arith.addi %mul3A_44, %add3A_244 : i32
      %get3A_246 = arith.index_cast %add3A_245 : i32 to index
      %get3A_247 = memref.load %arg6[%get3A_246] : memref<2560xf32, #tpu.memory_space<smem>>
      %mul3A_248 = vector.broadcast %get3A_247 : f32 to vector<1x768xf32>
      %mul3A_249 = arith.mulf %slice3A_243, %mul3A_248 : vector<1x768xf32>
      %swap3A_250 = arith.constant 20 : index
      %swap3A_251 = arith.constant 0 : index
      %swap3A_252 = vector.load %arg7[%swap3A_250, %swap3A_251] : memref<80x768xf32, #tpu.memory_space<vmem>>, vector<1x768xf32>
      tpu.vector_store %arg7[%swap3A_250, %swap3A_251], %mul3A_249 {strides = array<i32>} : memref<80x768xf32, #tpu.memory_space<vmem>>, vector<1x768xf32>,
      %slice3A_253 = vector.extract_strided_slice %add3A_38 {offsets = [21, 0], sizes = [1, 768], strides = [1, 1]} : vector<40x768xf32> to vector<1x768xf32>
      %add3A_254 = arith.constant 21 : i32
      %add3A_255 = arith.addi %mul3A_44, %add3A_254 : i32
      %get3A_256 = arith.index_cast %add3A_255 : i32 to index
      %get3A_257 = memref.load %arg6[%get3A_256] : memref<2560xf32, #tpu.memory_space<smem>>
      %mul3A_258 = vector.broadcast %get3A_257 : f32 to vector<1x768xf32>
      %mul3A_259 = arith.mulf %slice3A_253, %mul3A_258 : vector<1x768xf32>
      %swap3A_260 = arith.constant 21 : index
      %swap3A_261 = arith.constant 0 : index
      %swap3A_262 = vector.load %arg7[%swap3A_260, %swap3A_261] : memref<80x768xf32, #tpu.memory_space<vmem>>, vector<1x768xf32>
      tpu.vector_store %arg7[%swap3A_260, %swap3A_261], %mul3A_259 {strides = array<i32>} : memref<80x768xf32, #tpu.memory_space<vmem>>, vector<1x768xf32>,
      %slice3A_263 = vector.extract_strided_slice %add3A_38 {offsets = [22, 0], sizes = [1, 768], strides = [1, 1]} : vector<40x768xf32> to vector<1x768xf32>
      %add3A_264 = arith.constant 22 : i32
      %add3A_265 = arith.addi %mul3A_44, %add3A_264 : i32
      %get3A_266 = arith.index_cast %add3A_265 : i32 to index
      %get3A_267 = memref.load %arg6[%get3A_266] : memref<2560xf32, #tpu.memory_space<smem>>
      %mul3A_268 = vector.broadcast %get3A_267 : f32 to vector<1x768xf32>
      %mul3A_269 = arith.mulf %slice3A_263, %mul3A_268 : vector<1x768xf32>
      %swap3A_270 = arith.constant 22 : index
      %swap3A_271 = arith.constant 0 : index
      %swap3A_272 = vector.load %arg7[%swap3A_270, %swap3A_271] : memref<80x768xf32, #tpu.memory_space<vmem>>, vector<1x768xf32>
      tpu.vector_store %arg7[%swap3A_270, %swap3A_271], %mul3A_269 {strides = array<i32>} : memref<80x768xf32, #tpu.memory_space<vmem>>, vector<1x768xf32>,
      %slice3A_273 = vector.extract_strided_slice %add3A_38 {offsets = [23, 0], sizes = [1, 768], strides = [1, 1]} : vector<40x768xf32> to vector<1x768xf32>
      %add3A_274 = arith.constant 23 : i32
      %add3A_275 = arith.addi %mul3A_44, %add3A_274 : i32
      %get3A_276 = arith.index_cast %add3A_275 : i32 to index
      %get3A_277 = memref.load %arg6[%get3A_276] : memref<2560xf32, #tpu.memory_space<smem>>
      %mul3A_278 = vector.broadcast %get3A_277 : f32 to vector<1x768xf32>
      %mul3A_279 = arith.mulf %slice3A_273, %mul3A_278 : vector<1x768xf32>
      %swap3A_280 = arith.constant 23 : index
      %swap3A_281 = arith.constant 0 : index
      %swap3A_282 = vector.load %arg7[%swap3A_280, %swap3A_281] : memref<80x768xf32, #tpu.memory_space<vmem>>, vector<1x768xf32>
      tpu.vector_store %arg7[%swap3A_280, %swap3A_281], %mul3A_279 {strides = array<i32>} : memref<80x768xf32, #tpu.memory_space<vmem>>, vector<1x768xf32>,
      %slice3A_283 = vector.extract_strided_slice %add3A_38 {offsets = [24, 0], sizes = [1, 768], strides = [1, 1]} : vector<40x768xf32> to vector<1x768xf32>
      %add3A_284 = arith.constant 24 : i32
      %add3A_285 = arith.addi %mul3A_44, %add3A_284 : i32
      %get3A_286 = arith.index_cast %add3A_285 : i32 to index
      %get3A_287 = memref.load %arg6[%get3A_286] : memref<2560xf32, #tpu.memory_space<smem>>
      %mul3A_288 = vector.broadcast %get3A_287 : f32 to vector<1x768xf32>
      %mul3A_289 = arith.mulf %slice3A_283, %mul3A_288 : vector<1x768xf32>
      %swap3A_290 = arith.constant 24 : index
      %swap3A_291 = arith.constant 0 : index
      %swap3A_292 = vector.load %arg7[%swap3A_290, %swap3A_291] : memref<80x768xf32, #tpu.memory_space<vmem>>, vector<1x768xf32>
      tpu.vector_store %arg7[%swap3A_290, %swap3A_291], %mul3A_289 {strides = array<i32>} : memref<80x768xf32, #tpu.memory_space<vmem>>, vector<1x768xf32>,
      %slice3A_293 = vector.extract_strided_slice %add3A_38 {offsets = [25, 0], sizes = [1, 768], strides = [1, 1]} : vector<40x768xf32> to vector<1x768xf32>
      %add3A_294 = arith.constant 25 : i32
      %add3A_295 = arith.addi %mul3A_44, %add3A_294 : i32
      %get3A_296 = arith.index_cast %add3A_295 : i32 to index
      %get3A_297 = memref.load %arg6[%get3A_296] : memref<2560xf32, #tpu.memory_space<smem>>
      %mul3A_298 = vector.broadcast %get3A_297 : f32 to vector<1x768xf32>
      %mul3A_299 = arith.mulf %slice3A_293, %mul3A_298 : vector<1x768xf32>
      %swap3A_300 = arith.constant 25 : index
      %swap3A_301 = arith.constant 0 : index
      %swap3A_302 = vector.load %arg7[%swap3A_300, %swap3A_301] : memref<80x768xf32, #tpu.memory_space<vmem>>, vector<1x768xf32>
      tpu.vector_store %arg7[%swap3A_300, %swap3A_301], %mul3A_299 {strides = array<i32>} : memref<80x768xf32, #tpu.memory_space<vmem>>, vector<1x768xf32>,
      %slice3A_303 = vector.extract_strided_slice %add3A_38 {offsets = [26, 0], sizes = [1, 768], strides = [1, 1]} : vector<40x768xf32> to vector<1x768xf32>
      %add3A_304 = arith.constant 26 : i32
      %add3A_305 = arith.addi %mul3A_44, %add3A_304 : i32
      %get3A_306 = arith.index_cast %add3A_305 : i32 to index
      %get3A_307 = memref.load %arg6[%get3A_306] : memref<2560xf32, #tpu.memory_space<smem>>
      %mul3A_308 = vector.broadcast %get3A_307 : f32 to vector<1x768xf32>
      %mul3A_309 = arith.mulf %slice3A_303, %mul3A_308 : vector<1x768xf32>
      %swap3A_310 = arith.constant 26 : index
      %swap3A_311 = arith.constant 0 : index
      %swap3A_312 = vector.load %arg7[%swap3A_310, %swap3A_311] : memref<80x768xf32, #tpu.memory_space<vmem>>, vector<1x768xf32>
      tpu.vector_store %arg7[%swap3A_310, %swap3A_311], %mul3A_309 {strides = array<i32>} : memref<80x768xf32, #tpu.memory_space<vmem>>, vector<1x768xf32>,
      %slice3A_313 = vector.extract_strided_slice %add3A_38 {offsets = [27, 0], sizes = [1, 768], strides = [1, 1]} : vector<40x768xf32> to vector<1x768xf32>
      %add3A_314 = arith.constant 27 : i32
      %add3A_315 = arith.addi %mul3A_44, %add3A_314 : i32
      %get3A_316 = arith.index_cast %add3A_315 : i32 to index
      %get3A_317 = memref.load %arg6[%get3A_316] : memref<2560xf32, #tpu.memory_space<smem>>
      %mul3A_318 = vector.broadcast %get3A_317 : f32 to vector<1x768xf32>
      %mul3A_319 = arith.mulf %slice3A_313, %mul3A_318 : vector<1x768xf32>
      %swap3A_320 = arith.constant 27 : index
      %swap3A_321 = arith.constant 0 : index
      %swap3A_322 = vector.load %arg7[%swap3A_320, %swap3A_321] : memref<80x768xf32, #tpu.memory_space<vmem>>, vector<1x768xf32>
      tpu.vector_store %arg7[%swap3A_320, %swap3A_321], %mul3A_319 {strides = array<i32>} : memref<80x768xf32, #tpu.memory_space<vmem>>, vector<1x768xf32>,
      %slice3A_323 = vector.extract_strided_slice %add3A_38 {offsets = [28, 0], sizes = [1, 768], strides = [1, 1]} : vector<40x768xf32> to vector<1x768xf32>
      %add3A_324 = arith.constant 28 : i32
      %add3A_325 = arith.addi %mul3A_44, %add3A_324 : i32
      %get3A_326 = arith.index_cast %add3A_325 : i32 to index
      %get3A_327 = memref.load %arg6[%get3A_326] : memref<2560xf32, #tpu.memory_space<smem>>
      %mul3A_328 = vector.broadcast %get3A_327 : f32 to vector<1x768xf32>
      %mul3A_329 = arith.mulf %slice3A_323, %mul3A_328 : vector<1x768xf32>
      %swap3A_330 = arith.constant 28 : index
      %swap3A_331 = arith.constant 0 : index
      %swap3A_332 = vector.load %arg7[%swap3A_330, %swap3A_331] : memref<80x768xf32, #tpu.memory_space<vmem>>, vector<1x768xf32>
      tpu.vector_store %arg7[%swap3A_330, %swap3A_331], %mul3A_329 {strides = array<i32>} : memref<80x768xf32, #tpu.memory_space<vmem>>, vector<1x768xf32>,
      %slice3A_333 = vector.extract_strided_slice %add3A_38 {offsets = [29, 0], sizes = [1, 768], strides = [1, 1]} : vector<40x768xf32> to vector<1x768xf32>
      %add3A_334 = arith.constant 29 : i32
      %add3A_335 = arith.addi %mul3A_44, %add3A_334 : i32
      %get3A_336 = arith.index_cast %add3A_335 : i32 to index
      %get3A_337 = memref.load %arg6[%get3A_336] : memref<2560xf32, #tpu.memory_space<smem>>
      %mul3A_338 = vector.broadcast %get3A_337 : f32 to vector<1x768xf32>
      %mul3A_339 = arith.mulf %slice3A_333, %mul3A_338 : vector<1x768xf32>
      %swap3A_340 = arith.constant 29 : index
      %swap3A_341 = arith.constant 0 : index
      %swap3A_342 = vector.load %arg7[%swap3A_340, %swap3A_341] : memref<80x768xf32, #tpu.memory_space<vmem>>, vector<1x768xf32>
      tpu.vector_store %arg7[%swap3A_340, %swap3A_341], %mul3A_339 {strides = array<i32>} : memref<80x768xf32, #tpu.memory_space<vmem>>, vector<1x768xf32>,
      %slice3A_343 = vector.extract_strided_slice %add3A_38 {offsets = [30, 0], sizes = [1, 768], strides = [1, 1]} : vector<40x768xf32> to vector<1x768xf32>
      %add3A_344 = arith.constant 30 : i32
      %add3A_345 = arith.addi %mul3A_44, %add3A_344 : i32
      %get3A_346 = arith.index_cast %add3A_345 : i32 to index
      %get3A_347 = memref.load %arg6[%get3A_346] : memref<2560xf32, #tpu.memory_space<smem>>
      %mul3A_348 = vector.broadcast %get3A_347 : f32 to vector<1x768xf32>
      %mul3A_349 = arith.mulf %slice3A_343, %mul3A_348 : vector<1x768xf32>
      %swap3A_350 = arith.constant 30 : index
      %swap3A_351 = arith.constant 0 : index
      %swap3A_352 = vector.load %arg7[%swap3A_350, %swap3A_351] : memref<80x768xf32, #tpu.memory_space<vmem>>, vector<1x768xf32>
      tpu.vector_store %arg7[%swap3A_350, %swap3A_351], %mul3A_349 {strides = array<i32>} : memref<80x768xf32, #tpu.memory_space<vmem>>, vector<1x768xf32>,
      %slice3A_353 = vector.extract_strided_slice %add3A_38 {offsets = [31, 0], sizes = [1, 768], strides = [1, 1]} : vector<40x768xf32> to vector<1x768xf32>
      %add3A_354 = arith.constant 31 : i32
      %add3A_355 = arith.addi %mul3A_44, %add3A_354 : i32
      %get3A_356 = arith.index_cast %add3A_355 : i32 to index
      %get3A_357 = memref.load %arg6[%get3A_356] : memref<2560xf32, #tpu.memory_space<smem>>
      %mul3A_358 = vector.broadcast %get3A_357 : f32 to vector<1x768xf32>
      %mul3A_359 = arith.mulf %slice3A_353, %mul3A_358 : vector<1x768xf32>
      %swap3A_360 = arith.constant 31 : index
      %swap3A_361 = arith.constant 0 : index
      %swap3A_362 = vector.load %arg7[%swap3A_360, %swap3A_361] : memref<80x768xf32, #tpu.memory_space<vmem>>, vector<1x768xf32>
      tpu.vector_store %arg7[%swap3A_360, %swap3A_361], %mul3A_359 {strides = array<i32>} : memref<80x768xf32, #tpu.memory_space<vmem>>, vector<1x768xf32>,
      %slice3A_363 = vector.extract_strided_slice %add3A_38 {offsets = [32, 0], sizes = [1, 768], strides = [1, 1]} : vector<40x768xf32> to vector<1x768xf32>
      %add3A_364 = arith.constant 32 : i32
      %add3A_365 = arith.addi %mul3A_44, %add3A_364 : i32
      %get3A_366 = arith.index_cast %add3A_365 : i32 to index
      %get3A_367 = memref.load %arg6[%get3A_366] : memref<2560xf32, #tpu.memory_space<smem>>
      %mul3A_368 = vector.broadcast %get3A_367 : f32 to vector<1x768xf32>
      %mul3A_369 = arith.mulf %slice3A_363, %mul3A_368 : vector<1x768xf32>
      %swap3A_370 = arith.constant 32 : index
      %swap3A_371 = arith.constant 0 : index
      %swap3A_372 = vector.load %arg7[%swap3A_370, %swap3A_371] : memref<80x768xf32, #tpu.memory_space<vmem>>, vector<1x768xf32>
      tpu.vector_store %arg7[%swap3A_370, %swap3A_371], %mul3A_369 {strides = array<i32>} : memref<80x768xf32, #tpu.memory_space<vmem>>, vector<1x768xf32>,
      %slice3A_373 = vector.extract_strided_slice %add3A_38 {offsets = [33, 0], sizes = [1, 768], strides = [1, 1]} : vector<40x768xf32> to vector<1x768xf32>
      %add3A_374 = arith.constant 33 : i32
      %add3A_375 = arith.addi %mul3A_44, %add3A_374 : i32
      %get3A_376 = arith.index_cast %add3A_375 : i32 to index
      %get3A_377 = memref.load %arg6[%get3A_376] : memref<2560xf32, #tpu.memory_space<smem>>
      %mul3A_378 = vector.broadcast %get3A_377 : f32 to vector<1x768xf32>
      %mul3A_379 = arith.mulf %slice3A_373, %mul3A_378 : vector<1x768xf32>
      %swap3A_380 = arith.constant 33 : index
      %swap3A_381 = arith.constant 0 : index
      %swap3A_382 = vector.load %arg7[%swap3A_380, %swap3A_381] : memref<80x768xf32, #tpu.memory_space<vmem>>, vector<1x768xf32>
      tpu.vector_store %arg7[%swap3A_380, %swap3A_381], %mul3A_379 {strides = array<i32>} : memref<80x768xf32, #tpu.memory_space<vmem>>, vector<1x768xf32>,
      %slice3A_383 = vector.extract_strided_slice %add3A_38 {offsets = [34, 0], sizes = [1, 768], strides = [1, 1]} : vector<40x768xf32> to vector<1x768xf32>
      %add3A_384 = arith.constant 34 : i32
      %add3A_385 = arith.addi %mul3A_44, %add3A_384 : i32
      %get3A_386 = arith.index_cast %add3A_385 : i32 to index
      %get3A_387 = memref.load %arg6[%get3A_386] : memref<2560xf32, #tpu.memory_space<smem>>
      %mul3A_388 = vector.broadcast %get3A_387 : f32 to vector<1x768xf32>
      %mul3A_389 = arith.mulf %slice3A_383, %mul3A_388 : vector<1x768xf32>
      %swap3A_390 = arith.constant 34 : index
      %swap3A_391 = arith.constant 0 : index
      %swap3A_392 = vector.load %arg7[%swap3A_390, %swap3A_391] : memref<80x768xf32, #tpu.memory_space<vmem>>, vector<1x768xf32>
      tpu.vector_store %arg7[%swap3A_390, %swap3A_391], %mul3A_389 {strides = array<i32>} : memref<80x768xf32, #tpu.memory_space<vmem>>, vector<1x768xf32>,
      %slice3A_393 = vector.extract_strided_slice %add3A_38 {offsets = [35, 0], sizes = [1, 768], strides = [1, 1]} : vector<40x768xf32> to vector<1x768xf32>
      %add3A_394 = arith.constant 35 : i32
      %add3A_395 = arith.addi %mul3A_44, %add3A_394 : i32
      %get3A_396 = arith.index_cast %add3A_395 : i32 to index
      %get3A_397 = memref.load %arg6[%get3A_396] : memref<2560xf32, #tpu.memory_space<smem>>
      %mul3A_398 = vector.broadcast %get3A_397 : f32 to vector<1x768xf32>
      %mul3A_399 = arith.mulf %slice3A_393, %mul3A_398 : vector<1x768xf32>
      %swap3A_400 = arith.constant 35 : index
      %swap3A_401 = arith.constant 0 : index
      %swap3A_402 = vector.load %arg7[%swap3A_400, %swap3A_401] : memref<80x768xf32, #tpu.memory_space<vmem>>, vector<1x768xf32>
      tpu.vector_store %arg7[%swap3A_400, %swap3A_401], %mul3A_399 {strides = array<i32>} : memref<80x768xf32, #tpu.memory_space<vmem>>, vector<1x768xf32>,
      %slice3A_403 = vector.extract_strided_slice %add3A_38 {offsets = [36, 0], sizes = [1, 768], strides = [1, 1]} : vector<40x768xf32> to vector<1x768xf32>
      %add3A_404 = arith.constant 36 : i32
      %add3A_405 = arith.addi %mul3A_44, %add3A_404 : i32
      %get3A_406 = arith.index_cast %add3A_405 : i32 to index
      %get3A_407 = memref.load %arg6[%get3A_406] : memref<2560xf32, #tpu.memory_space<smem>>
      %mul3A_408 = vector.broadcast %get3A_407 : f32 to vector<1x768xf32>
      %mul3A_409 = arith.mulf %slice3A_403, %mul3A_408 : vector<1x768xf32>
      %swap3A_410 = arith.constant 36 : index
      %swap3A_411 = arith.constant 0 : index
      %swap3A_412 = vector.load %arg7[%swap3A_410, %swap3A_411] : memref<80x768xf32, #tpu.memory_space<vmem>>, vector<1x768xf32>
      tpu.vector_store %arg7[%swap3A_410, %swap3A_411], %mul3A_409 {strides = array<i32>} : memref<80x768xf32, #tpu.memory_space<vmem>>, vector<1x768xf32>,
      %slice3A_413 = vector.extract_strided_slice %add3A_38 {offsets = [37, 0], sizes = [1, 768], strides = [1, 1]} : vector<40x768xf32> to vector<1x768xf32>
      %add3A_414 = arith.constant 37 : i32
      %add3A_415 = arith.addi %mul3A_44, %add3A_414 : i32
      %get3A_416 = arith.index_cast %add3A_415 : i32 to index
      %get3A_417 = memref.load %arg6[%get3A_416] : memref<2560xf32, #tpu.memory_space<smem>>
      %mul3A_418 = vector.broadcast %get3A_417 : f32 to vector<1x768xf32>
      %mul3A_419 = arith.mulf %slice3A_413, %mul3A_418 : vector<1x768xf32>
      %swap3A_420 = arith.constant 37 : index
      %swap3A_421 = arith.constant 0 : index
      %swap3A_422 = vector.load %arg7[%swap3A_420, %swap3A_421] : memref<80x768xf32, #tpu.memory_space<vmem>>, vector<1x768xf32>
      tpu.vector_store %arg7[%swap3A_420, %swap3A_421], %mul3A_419 {strides = array<i32>} : memref<80x768xf32, #tpu.memory_space<vmem>>, vector<1x768xf32>,
      %slice3A_423 = vector.extract_strided_slice %add3A_38 {offsets = [38, 0], sizes = [1, 768], strides = [1, 1]} : vector<40x768xf32> to vector<1x768xf32>
      %add3A_424 = arith.constant 38 : i32
      %add3A_425 = arith.addi %mul3A_44, %add3A_424 : i32
      %get3A_426 = arith.index_cast %add3A_425 : i32 to index
      %get3A_427 = memref.load %arg6[%get3A_426] : memref<2560xf32, #tpu.memory_space<smem>>
      %mul3A_428 = vector.broadcast %get3A_427 : f32 to vector<1x768xf32>
      %mul3A_429 = arith.mulf %slice3A_423, %mul3A_428 : vector<1x768xf32>
      %swap3A_430 = arith.constant 38 : index
      %swap3A_431 = arith.constant 0 : index
      %swap3A_432 = vector.load %arg7[%swap3A_430, %swap3A_431] : memref<80x768xf32, #tpu.memory_space<vmem>>, vector<1x768xf32>
      tpu.vector_store %arg7[%swap3A_430, %swap3A_431], %mul3A_429 {strides = array<i32>} : memref<80x768xf32, #tpu.memory_space<vmem>>, vector<1x768xf32>,
      %slice3A_433 = vector.extract_strided_slice %add3A_38 {offsets = [39, 0], sizes = [1, 768], strides = [1, 1]} : vector<40x768xf32> to vector<1x768xf32>
      %add3A_434 = arith.constant 39 : i32
      %add3A_435 = arith.addi %mul3A_44, %add3A_434 : i32
      %get3A_436 = arith.index_cast %add3A_435 : i32 to index
      %get3A_437 = memref.load %arg6[%get3A_436] : memref<2560xf32, #tpu.memory_space<smem>>
      %mul3A_438 = vector.broadcast %get3A_437 : f32 to vector<1x768xf32>
      %mul3A_439 = arith.mulf %slice3A_433, %mul3A_438 : vector<1x768xf32>
      %swap3A_440 = arith.constant 39 : index
      %swap3A_441 = arith.constant 0 : index
      %swap3A_442 = vector.load %arg7[%swap3A_440, %swap3A_441] : memref<80x768xf32, #tpu.memory_space<vmem>>, vector<1x768xf32>
      tpu.vector_store %arg7[%swap3A_440, %swap3A_441], %mul3A_439 {strides = array<i32>} : memref<80x768xf32, #tpu.memory_space<vmem>>, vector<1x768xf32>,
      %get3A_443 = arith.constant 40 : index
      %get3A_444 = arith.constant 0 : index
      %get3A_445 = vector.load %arg1[%get3A_443, %get3A_444] : memref<80x768xf32, #tpu.memory_space<vmem>>, vector<40x768xf32>
      %get3A_446 = arith.constant 1 : index
      %get3A_447 = arith.constant 0 : index
      %get3A_448 = arith.constant 0 : index
      %get3A_449 = vector.load %arg2[%get3A_446, %get3A_447, %get3A_448] : memref<2x768x768xf32, #tpu.memory_space<vmem>>, vector<1x768x768xf32>
      %get3A_450 = vector.shape_cast %get3A_449 : vector<1x768x768xf32> to vector<768x768xf32>
      %dot_general3A_451 = arith.constant dense<0.000000e+00> : vector<40x768xf32>
      %dot_general3A_452 = tpu.matmul %get3A_445, %get3A_450, %dot_general3A_451 {dimension_numbers = #tpu.dot_dimension_numbers<[1], [0], [0], [1], [0, 0, 1, 1], [], []>, transpose_lhs_hint = false} : vector<40x768xf32>, vector<768x768xf32>, vector<40x768xf32> -> vector<40x768xf32>
      %mul3A_453 = arith.constant 2 : i32
      %mul3A_454 = arith.muli %arg0, %mul3A_453 : i32
      %add3A_455 = arith.constant 1 : i32
      %add3A_456 = arith.addi %mul3A_454, %add3A_455 : i32
      %get3A_457 = arith.index_cast %add3A_456 : i32 to index
      %get3A_458 = arith.constant 0 : index
      %get3A_459 = vector.load %arg3[%get3A_457, %get3A_458] : memref<64x768xf32, #tpu.memory_space<vmem>>, vector<1x768xf32>
      %add3A_460 = vector.broadcast %get3A_459 : vector<1x768xf32> to vector<40x768xf32>
      %add3A_461 = arith.addf %dot_general3A_452, %add3A_460 : vector<40x768xf32>
      %max3A_462 = arith.constant 0.000000e+00 : f32
      %max3A_463 = vector.broadcast %max3A_462 : f32 to vector<40x768xf32>
      %max3A_464 = arith.maximumf %add3A_461, %max3A_463 : vector<40x768xf32>
      %get3A_465 = arith.constant 1 : index
      %get3A_466 = arith.constant 0 : index
      %get3A_467 = arith.constant 0 : index
      %get3A_468 = vector.load %arg4[%get3A_465, %get3A_466, %get3A_467] : memref<2x768x768xf32, #tpu.memory_space<vmem>>, vector<1x768x768xf32>
      %get3A_469 = vector.shape_cast %get3A_468 : vector<1x768x768xf32> to vector<768x768xf32>
      %dot_general3A_470 = arith.constant dense<0.000000e+00> : vector<40x768xf32>
      %dot_general3A_471 = tpu.matmul %max3A_464, %get3A_469, %dot_general3A_470 {dimension_numbers = #tpu.dot_dimension_numbers<[1], [0], [0], [1], [0, 0, 1, 1], [], []>, transpose_lhs_hint = false} : vector<40x768xf32>, vector<768x768xf32>, vector<40x768xf32> -> vector<40x768xf32>
      %mul3A_472 = arith.constant 2 : i32
      %mul3A_473 = arith.muli %arg0, %mul3A_472 : i32
      %add3A_474 = arith.constant 1 : i32
      %add3A_475 = arith.addi %mul3A_473, %add3A_474 : i32
      %get3A_476 = arith.index_cast %add3A_475 : i32 to index
      %get3A_477 = arith.constant 0 : index
      %get3A_478 = vector.load %arg5[%get3A_476, %get3A_477] : memref<64x768xf32, #tpu.memory_space<vmem>>, vector<1x768xf32>
      %add3A_479 = vector.broadcast %get3A_478 : vector<1x768xf32> to vector<40x768xf32>
      %add3A_480 = arith.addf %dot_general3A_471, %add3A_479 : vector<40x768xf32>
      %mul3A_481 = arith.constant 2 : i32
      %mul3A_482 = arith.muli %arg0, %mul3A_481 : i32
      %add3A_483 = arith.constant 1 : i32
      %add3A_484 = arith.addi %mul3A_482, %add3A_483 : i32
      %mul3A_485 = arith.constant 40 : i32
      %mul3A_486 = arith.muli %add3A_484, %mul3A_485 : i32
      %slice3A_487 = vector.extract_strided_slice %add3A_480 {offsets = [0, 0], sizes = [1, 768], strides = [1, 1]} : vector<40x768xf32> to vector<1x768xf32>
      %add3A_488 = arith.constant 0 : i32
      %add3A_489 = arith.addi %mul3A_486, %add3A_488 : i32
      %get3A_490 = arith.index_cast %add3A_489 : i32 to index
      %get3A_491 = memref.load %arg6[%get3A_490] : memref<2560xf32, #tpu.memory_space<smem>>
      %mul3A_492 = vector.broadcast %get3A_491 : f32 to vector<1x768xf32>
      %mul3A_493 = arith.mulf %slice3A_487, %mul3A_492 : vector<1x768xf32>
      %swap3A_494 = arith.constant 40 : index
      %swap3A_495 = arith.constant 0 : index
      %swap3A_496 = vector.load %arg7[%swap3A_494, %swap3A_495] : memref<80x768xf32, #tpu.memory_space<vmem>>, vector<1x768xf32>
      tpu.vector_store %arg7[%swap3A_494, %swap3A_495], %mul3A_493 {strides = array<i32>} : memref<80x768xf32, #tpu.memory_space<vmem>>, vector<1x768xf32>,
      %slice3A_497 = vector.extract_strided_slice %add3A_480 {offsets = [1, 0], sizes = [1, 768], strides = [1, 1]} : vector<40x768xf32> to vector<1x768xf32>
      %add3A_498 = arith.constant 1 : i32
      %add3A_499 = arith.addi %mul3A_486, %add3A_498 : i32
      %get3A_500 = arith.index_cast %add3A_499 : i32 to index
      %get3A_501 = memref.load %arg6[%get3A_500] : memref<2560xf32, #tpu.memory_space<smem>>
      %mul3A_502 = vector.broadcast %get3A_501 : f32 to vector<1x768xf32>
      %mul3A_503 = arith.mulf %slice3A_497, %mul3A_502 : vector<1x768xf32>
      %swap3A_504 = arith.constant 41 : index
      %swap3A_505 = arith.constant 0 : index
      %swap3A_506 = vector.load %arg7[%swap3A_504, %swap3A_505] : memref<80x768xf32, #tpu.memory_space<vmem>>, vector<1x768xf32>
      tpu.vector_store %arg7[%swap3A_504, %swap3A_505], %mul3A_503 {strides = array<i32>} : memref<80x768xf32, #tpu.memory_space<vmem>>, vector<1x768xf32>,
      %slice3A_507 = vector.extract_strided_slice %add3A_480 {offsets = [2, 0], sizes = [1, 768], strides = [1, 1]} : vector<40x768xf32> to vector<1x768xf32>
      %add3A_508 = arith.constant 2 : i32
      %add3A_509 = arith.addi %mul3A_486, %add3A_508 : i32
      %get3A_510 = arith.index_cast %add3A_509 : i32 to index
      %get3A_511 = memref.load %arg6[%get3A_510] : memref<2560xf32, #tpu.memory_space<smem>>
      %mul3A_512 = vector.broadcast %get3A_511 : f32 to vector<1x768xf32>
      %mul3A_513 = arith.mulf %slice3A_507, %mul3A_512 : vector<1x768xf32>
      %swap3A_514 = arith.constant 42 : index
      %swap3A_515 = arith.constant 0 : index
      %swap3A_516 = vector.load %arg7[%swap3A_514, %swap3A_515] : memref<80x768xf32, #tpu.memory_space<vmem>>, vector<1x768xf32>
      tpu.vector_store %arg7[%swap3A_514, %swap3A_515], %mul3A_513 {strides = array<i32>} : memref<80x768xf32, #tpu.memory_space<vmem>>, vector<1x768xf32>,
      %slice3A_517 = vector.extract_strided_slice %add3A_480 {offsets = [3, 0], sizes = [1, 768], strides = [1, 1]} : vector<40x768xf32> to vector<1x768xf32>
      %add3A_518 = arith.constant 3 : i32
      %add3A_519 = arith.addi %mul3A_486, %add3A_518 : i32
      %get3A_520 = arith.index_cast %add3A_519 : i32 to index
      %get3A_521 = memref.load %arg6[%get3A_520] : memref<2560xf32, #tpu.memory_space<smem>>
      %mul3A_522 = vector.broadcast %get3A_521 : f32 to vector<1x768xf32>
      %mul3A_523 = arith.mulf %slice3A_517, %mul3A_522 : vector<1x768xf32>
      %swap3A_524 = arith.constant 43 : index
      %swap3A_525 = arith.constant 0 : index
      %swap3A_526 = vector.load %arg7[%swap3A_524, %swap3A_525] : memref<80x768xf32, #tpu.memory_space<vmem>>, vector<1x768xf32>
      tpu.vector_store %arg7[%swap3A_524, %swap3A_525], %mul3A_523 {strides = array<i32>} : memref<80x768xf32, #tpu.memory_space<vmem>>, vector<1x768xf32>,
      %slice3A_527 = vector.extract_strided_slice %add3A_480 {offsets = [4, 0], sizes = [1, 768], strides = [1, 1]} : vector<40x768xf32> to vector<1x768xf32>
      %add3A_528 = arith.constant 4 : i32
      %add3A_529 = arith.addi %mul3A_486, %add3A_528 : i32
      %get3A_530 = arith.index_cast %add3A_529 : i32 to index
      %get3A_531 = memref.load %arg6[%get3A_530] : memref<2560xf32, #tpu.memory_space<smem>>
      %mul3A_532 = vector.broadcast %get3A_531 : f32 to vector<1x768xf32>
      %mul3A_533 = arith.mulf %slice3A_527, %mul3A_532 : vector<1x768xf32>
      %swap3A_534 = arith.constant 44 : index
      %swap3A_535 = arith.constant 0 : index
      %swap3A_536 = vector.load %arg7[%swap3A_534, %swap3A_535] : memref<80x768xf32, #tpu.memory_space<vmem>>, vector<1x768xf32>
      tpu.vector_store %arg7[%swap3A_534, %swap3A_535], %mul3A_533 {strides = array<i32>} : memref<80x768xf32, #tpu.memory_space<vmem>>, vector<1x768xf32>,
      %slice3A_537 = vector.extract_strided_slice %add3A_480 {offsets = [5, 0], sizes = [1, 768], strides = [1, 1]} : vector<40x768xf32> to vector<1x768xf32>
      %add3A_538 = arith.constant 5 : i32
      %add3A_539 = arith.addi %mul3A_486, %add3A_538 : i32
      %get3A_540 = arith.index_cast %add3A_539 : i32 to index
      %get3A_541 = memref.load %arg6[%get3A_540] : memref<2560xf32, #tpu.memory_space<smem>>
      %mul3A_542 = vector.broadcast %get3A_541 : f32 to vector<1x768xf32>
      %mul3A_543 = arith.mulf %slice3A_537, %mul3A_542 : vector<1x768xf32>
      %swap3A_544 = arith.constant 45 : index
      %swap3A_545 = arith.constant 0 : index
      %swap3A_546 = vector.load %arg7[%swap3A_544, %swap3A_545] : memref<80x768xf32, #tpu.memory_space<vmem>>, vector<1x768xf32>
      tpu.vector_store %arg7[%swap3A_544, %swap3A_545], %mul3A_543 {strides = array<i32>} : memref<80x768xf32, #tpu.memory_space<vmem>>, vector<1x768xf32>,
      %slice3A_547 = vector.extract_strided_slice %add3A_480 {offsets = [6, 0], sizes = [1, 768], strides = [1, 1]} : vector<40x768xf32> to vector<1x768xf32>
      %add3A_548 = arith.constant 6 : i32
      %add3A_549 = arith.addi %mul3A_486, %add3A_548 : i32
      %get3A_550 = arith.index_cast %add3A_549 : i32 to index
      %get3A_551 = memref.load %arg6[%get3A_550] : memref<2560xf32, #tpu.memory_space<smem>>
      %mul3A_552 = vector.broadcast %get3A_551 : f32 to vector<1x768xf32>
      %mul3A_553 = arith.mulf %slice3A_547, %mul3A_552 : vector<1x768xf32>
      %swap3A_554 = arith.constant 46 : index
      %swap3A_555 = arith.constant 0 : index
      %swap3A_556 = vector.load %arg7[%swap3A_554, %swap3A_555] : memref<80x768xf32, #tpu.memory_space<vmem>>, vector<1x768xf32>
      tpu.vector_store %arg7[%swap3A_554, %swap3A_555], %mul3A_553 {strides = array<i32>} : memref<80x768xf32, #tpu.memory_space<vmem>>, vector<1x768xf32>,
      %slice3A_557 = vector.extract_strided_slice %add3A_480 {offsets = [7, 0], sizes = [1, 768], strides = [1, 1]} : vector<40x768xf32> to vector<1x768xf32>
      %add3A_558 = arith.constant 7 : i32
      %add3A_559 = arith.addi %mul3A_486, %add3A_558 : i32
      %get3A_560 = arith.index_cast %add3A_559 : i32 to index
      %get3A_561 = memref.load %arg6[%get3A_560] : memref<2560xf32, #tpu.memory_space<smem>>
      %mul3A_562 = vector.broadcast %get3A_561 : f32 to vector<1x768xf32>
      %mul3A_563 = arith.mulf %slice3A_557, %mul3A_562 : vector<1x768xf32>
      %swap3A_564 = arith.constant 47 : index
      %swap3A_565 = arith.constant 0 : index
      %swap3A_566 = vector.load %arg7[%swap3A_564, %swap3A_565] : memref<80x768xf32, #tpu.memory_space<vmem>>, vector<1x768xf32>
      tpu.vector_store %arg7[%swap3A_564, %swap3A_565], %mul3A_563 {strides = array<i32>} : memref<80x768xf32, #tpu.memory_space<vmem>>, vector<1x768xf32>,
      %slice3A_567 = vector.extract_strided_slice %add3A_480 {offsets = [8, 0], sizes = [1, 768], strides = [1, 1]} : vector<40x768xf32> to vector<1x768xf32>
      %add3A_568 = arith.constant 8 : i32
      %add3A_569 = arith.addi %mul3A_486, %add3A_568 : i32
      %get3A_570 = arith.index_cast %add3A_569 : i32 to index
      %get3A_571 = memref.load %arg6[%get3A_570] : memref<2560xf32, #tpu.memory_space<smem>>
      %mul3A_572 = vector.broadcast %get3A_571 : f32 to vector<1x768xf32>
      %mul3A_573 = arith.mulf %slice3A_567, %mul3A_572 : vector<1x768xf32>
      %swap3A_574 = arith.constant 48 : index
      %swap3A_575 = arith.constant 0 : index
      %swap3A_576 = vector.load %arg7[%swap3A_574, %swap3A_575] : memref<80x768xf32, #tpu.memory_space<vmem>>, vector<1x768xf32>
      tpu.vector_store %arg7[%swap3A_574, %swap3A_575], %mul3A_573 {strides = array<i32>} : memref<80x768xf32, #tpu.memory_space<vmem>>, vector<1x768xf32>,
      %slice3A_577 = vector.extract_strided_slice %add3A_480 {offsets = [9, 0], sizes = [1, 768], strides = [1, 1]} : vector<40x768xf32> to vector<1x768xf32>
      %add3A_578 = arith.constant 9 : i32
      %add3A_579 = arith.addi %mul3A_486, %add3A_578 : i32
      %get3A_580 = arith.index_cast %add3A_579 : i32 to index
      %get3A_581 = memref.load %arg6[%get3A_580] : memref<2560xf32, #tpu.memory_space<smem>>
      %mul3A_582 = vector.broadcast %get3A_581 : f32 to vector<1x768xf32>
      %mul3A_583 = arith.mulf %slice3A_577, %mul3A_582 : vector<1x768xf32>
      %swap3A_584 = arith.constant 49 : index
      %swap3A_585 = arith.constant 0 : index
      %swap3A_586 = vector.load %arg7[%swap3A_584, %swap3A_585] : memref<80x768xf32, #tpu.memory_space<vmem>>, vector<1x768xf32>
      tpu.vector_store %arg7[%swap3A_584, %swap3A_585], %mul3A_583 {strides = array<i32>} : memref<80x768xf32, #tpu.memory_space<vmem>>, vector<1x768xf32>,
      %slice3A_587 = vector.extract_strided_slice %add3A_480 {offsets = [10, 0], sizes = [1, 768], strides = [1, 1]} : vector<40x768xf32> to vector<1x768xf32>
      %add3A_588 = arith.constant 10 : i32
      %add3A_589 = arith.addi %mul3A_486, %add3A_588 : i32
      %get3A_590 = arith.index_cast %add3A_589 : i32 to index
      %get3A_591 = memref.load %arg6[%get3A_590] : memref<2560xf32, #tpu.memory_space<smem>>
      %mul3A_592 = vector.broadcast %get3A_591 : f32 to vector<1x768xf32>
      %mul3A_593 = arith.mulf %slice3A_587, %mul3A_592 : vector<1x768xf32>
      %swap3A_594 = arith.constant 50 : index
      %swap3A_595 = arith.constant 0 : index
      %swap3A_596 = vector.load %arg7[%swap3A_594, %swap3A_595] : memref<80x768xf32, #tpu.memory_space<vmem>>, vector<1x768xf32>
      tpu.vector_store %arg7[%swap3A_594, %swap3A_595], %mul3A_593 {strides = array<i32>} : memref<80x768xf32, #tpu.memory_space<vmem>>, vector<1x768xf32>,
      %slice3A_597 = vector.extract_strided_slice %add3A_480 {offsets = [11, 0], sizes = [1, 768], strides = [1, 1]} : vector<40x768xf32> to vector<1x768xf32>
      %add3A_598 = arith.constant 11 : i32
      %add3A_599 = arith.addi %mul3A_486, %add3A_598 : i32
      %get3A_600 = arith.index_cast %add3A_599 : i32 to index
      %get3A_601 = memref.load %arg6[%get3A_600] : memref<2560xf32, #tpu.memory_space<smem>>
      %mul3A_602 = vector.broadcast %get3A_601 : f32 to vector<1x768xf32>
      %mul3A_603 = arith.mulf %slice3A_597, %mul3A_602 : vector<1x768xf32>
      %swap3A_604 = arith.constant 51 : index
      %swap3A_605 = arith.constant 0 : index
      %swap3A_606 = vector.load %arg7[%swap3A_604, %swap3A_605] : memref<80x768xf32, #tpu.memory_space<vmem>>, vector<1x768xf32>
      tpu.vector_store %arg7[%swap3A_604, %swap3A_605], %mul3A_603 {strides = array<i32>} : memref<80x768xf32, #tpu.memory_space<vmem>>, vector<1x768xf32>,
      %slice3A_607 = vector.extract_strided_slice %add3A_480 {offsets = [12, 0], sizes = [1, 768], strides = [1, 1]} : vector<40x768xf32> to vector<1x768xf32>
      %add3A_608 = arith.constant 12 : i32
      %add3A_609 = arith.addi %mul3A_486, %add3A_608 : i32
      %get3A_610 = arith.index_cast %add3A_609 : i32 to index
      %get3A_611 = memref.load %arg6[%get3A_610] : memref<2560xf32, #tpu.memory_space<smem>>
      %mul3A_612 = vector.broadcast %get3A_611 : f32 to vector<1x768xf32>
      %mul3A_613 = arith.mulf %slice3A_607, %mul3A_612 : vector<1x768xf32>
      %swap3A_614 = arith.constant 52 : index
      %swap3A_615 = arith.constant 0 : index
      %swap3A_616 = vector.load %arg7[%swap3A_614, %swap3A_615] : memref<80x768xf32, #tpu.memory_space<vmem>>, vector<1x768xf32>
      tpu.vector_store %arg7[%swap3A_614, %swap3A_615], %mul3A_613 {strides = array<i32>} : memref<80x768xf32, #tpu.memory_space<vmem>>, vector<1x768xf32>,
      %slice3A_617 = vector.extract_strided_slice %add3A_480 {offsets = [13, 0], sizes = [1, 768], strides = [1, 1]} : vector<40x768xf32> to vector<1x768xf32>
      %add3A_618 = arith.constant 13 : i32
      %add3A_619 = arith.addi %mul3A_486, %add3A_618 : i32
      %get3A_620 = arith.index_cast %add3A_619 : i32 to index
      %get3A_621 = memref.load %arg6[%get3A_620] : memref<2560xf32, #tpu.memory_space<smem>>
      %mul3A_622 = vector.broadcast %get3A_621 : f32 to vector<1x768xf32>
      %mul3A_623 = arith.mulf %slice3A_617, %mul3A_622 : vector<1x768xf32>
      %swap3A_624 = arith.constant 53 : index
      %swap3A_625 = arith.constant 0 : index
      %swap3A_626 = vector.load %arg7[%swap3A_624, %swap3A_625] : memref<80x768xf32, #tpu.memory_space<vmem>>, vector<1x768xf32>
      tpu.vector_store %arg7[%swap3A_624, %swap3A_625], %mul3A_623 {strides = array<i32>} : memref<80x768xf32, #tpu.memory_space<vmem>>, vector<1x768xf32>,
      %slice3A_627 = vector.extract_strided_slice %add3A_480 {offsets = [14, 0], sizes = [1, 768], strides = [1, 1]} : vector<40x768xf32> to vector<1x768xf32>
      %add3A_628 = arith.constant 14 : i32
      %add3A_629 = arith.addi %mul3A_486, %add3A_628 : i32
      %get3A_630 = arith.index_cast %add3A_629 : i32 to index
      %get3A_631 = memref.load %arg6[%get3A_630] : memref<2560xf32, #tpu.memory_space<smem>>
      %mul3A_632 = vector.broadcast %get3A_631 : f32 to vector<1x768xf32>
      %mul3A_633 = arith.mulf %slice3A_627, %mul3A_632 : vector<1x768xf32>
      %swap3A_634 = arith.constant 54 : index
      %swap3A_635 = arith.constant 0 : index
      %swap3A_636 = vector.load %arg7[%swap3A_634, %swap3A_635] : memref<80x768xf32, #tpu.memory_space<vmem>>, vector<1x768xf32>
      tpu.vector_store %arg7[%swap3A_634, %swap3A_635], %mul3A_633 {strides = array<i32>} : memref<80x768xf32, #tpu.memory_space<vmem>>, vector<1x768xf32>,
      %slice3A_637 = vector.extract_strided_slice %add3A_480 {offsets = [15, 0], sizes = [1, 768], strides = [1, 1]} : vector<40x768xf32> to vector<1x768xf32>
      %add3A_638 = arith.constant 15 : i32
      %add3A_639 = arith.addi %mul3A_486, %add3A_638 : i32
      %get3A_640 = arith.index_cast %add3A_639 : i32 to index
      %get3A_641 = memref.load %arg6[%get3A_640] : memref<2560xf32, #tpu.memory_space<smem>>
      %mul3A_642 = vector.broadcast %get3A_641 : f32 to vector<1x768xf32>
      %mul3A_643 = arith.mulf %slice3A_637, %mul3A_642 : vector<1x768xf32>
      %swap3A_644 = arith.constant 55 : index
      %swap3A_645 = arith.constant 0 : index
      %swap3A_646 = vector.load %arg7[%swap3A_644, %swap3A_645] : memref<80x768xf32, #tpu.memory_space<vmem>>, vector<1x768xf32>
      tpu.vector_store %arg7[%swap3A_644, %swap3A_645], %mul3A_643 {strides = array<i32>} : memref<80x768xf32, #tpu.memory_space<vmem>>, vector<1x768xf32>,
      %slice3A_647 = vector.extract_strided_slice %add3A_480 {offsets = [16, 0], sizes = [1, 768], strides = [1, 1]} : vector<40x768xf32> to vector<1x768xf32>
      %add3A_648 = arith.constant 16 : i32
      %add3A_649 = arith.addi %mul3A_486, %add3A_648 : i32
      %get3A_650 = arith.index_cast %add3A_649 : i32 to index
      %get3A_651 = memref.load %arg6[%get3A_650] : memref<2560xf32, #tpu.memory_space<smem>>
      %mul3A_652 = vector.broadcast %get3A_651 : f32 to vector<1x768xf32>
      %mul3A_653 = arith.mulf %slice3A_647, %mul3A_652 : vector<1x768xf32>
      %swap3A_654 = arith.constant 56 : index
      %swap3A_655 = arith.constant 0 : index
      %swap3A_656 = vector.load %arg7[%swap3A_654, %swap3A_655] : memref<80x768xf32, #tpu.memory_space<vmem>>, vector<1x768xf32>
      tpu.vector_store %arg7[%swap3A_654, %swap3A_655], %mul3A_653 {strides = array<i32>} : memref<80x768xf32, #tpu.memory_space<vmem>>, vector<1x768xf32>,
      %slice3A_657 = vector.extract_strided_slice %add3A_480 {offsets = [17, 0], sizes = [1, 768], strides = [1, 1]} : vector<40x768xf32> to vector<1x768xf32>
      %add3A_658 = arith.constant 17 : i32
      %add3A_659 = arith.addi %mul3A_486, %add3A_658 : i32
      %get3A_660 = arith.index_cast %add3A_659 : i32 to index
      %get3A_661 = memref.load %arg6[%get3A_660] : memref<2560xf32, #tpu.memory_space<smem>>
      %mul3A_662 = vector.broadcast %get3A_661 : f32 to vector<1x768xf32>
      %mul3A_663 = arith.mulf %slice3A_657, %mul3A_662 : vector<1x768xf32>
      %swap3A_664 = arith.constant 57 : index
      %swap3A_665 = arith.constant 0 : index
      %swap3A_666 = vector.load %arg7[%swap3A_664, %swap3A_665] : memref<80x768xf32, #tpu.memory_space<vmem>>, vector<1x768xf32>
      tpu.vector_store %arg7[%swap3A_664, %swap3A_665], %mul3A_663 {strides = array<i32>} : memref<80x768xf32, #tpu.memory_space<vmem>>, vector<1x768xf32>,
      %slice3A_667 = vector.extract_strided_slice %add3A_480 {offsets = [18, 0], sizes = [1, 768], strides = [1, 1]} : vector<40x768xf32> to vector<1x768xf32>
      %add3A_668 = arith.constant 18 : i32
      %add3A_669 = arith.addi %mul3A_486, %add3A_668 : i32
      %get3A_670 = arith.index_cast %add3A_669 : i32 to index
      %get3A_671 = memref.load %arg6[%get3A_670] : memref<2560xf32, #tpu.memory_space<smem>>
      %mul3A_672 = vector.broadcast %get3A_671 : f32 to vector<1x768xf32>
      %mul3A_673 = arith.mulf %slice3A_667, %mul3A_672 : vector<1x768xf32>
      %swap3A_674 = arith.constant 58 : index
      %swap3A_675 = arith.constant 0 : index
      %swap3A_676 = vector.load %arg7[%swap3A_674, %swap3A_675] : memref<80x768xf32, #tpu.memory_space<vmem>>, vector<1x768xf32>
      tpu.vector_store %arg7[%swap3A_674, %swap3A_675], %mul3A_673 {strides = array<i32>} : memref<80x768xf32, #tpu.memory_space<vmem>>, vector<1x768xf32>,
      %slice3A_677 = vector.extract_strided_slice %add3A_480 {offsets = [19, 0], sizes = [1, 768], strides = [1, 1]} : vector<40x768xf32> to vector<1x768xf32>
      %add3A_678 = arith.constant 19 : i32
      %add3A_679 = arith.addi %mul3A_486, %add3A_678 : i32
      %get3A_680 = arith.index_cast %add3A_679 : i32 to index
      %get3A_681 = memref.load %arg6[%get3A_680] : memref<2560xf32, #tpu.memory_space<smem>>
      %mul3A_682 = vector.broadcast %get3A_681 : f32 to vector<1x768xf32>
      %mul3A_683 = arith.mulf %slice3A_677, %mul3A_682 : vector<1x768xf32>
      %swap3A_684 = arith.constant 59 : index
      %swap3A_685 = arith.constant 0 : index
      %swap3A_686 = vector.load %arg7[%swap3A_684, %swap3A_685] : memref<80x768xf32, #tpu.memory_space<vmem>>, vector<1x768xf32>
      tpu.vector_store %arg7[%swap3A_684, %swap3A_685], %mul3A_683 {strides = array<i32>} : memref<80x768xf32, #tpu.memory_space<vmem>>, vector<1x768xf32>,
      %slice3A_687 = vector.extract_strided_slice %add3A_480 {offsets = [20, 0], sizes = [1, 768], strides = [1, 1]} : vector<40x768xf32> to vector<1x768xf32>
      %add3A_688 = arith.constant 20 : i32
      %add3A_689 = arith.addi %mul3A_486, %add3A_688 : i32
      %get3A_690 = arith.index_cast %add3A_689 : i32 to index
      %get3A_691 = memref.load %arg6[%get3A_690] : memref<2560xf32, #tpu.memory_space<smem>>
      %mul3A_692 = vector.broadcast %get3A_691 : f32 to vector<1x768xf32>
      %mul3A_693 = arith.mulf %slice3A_687, %mul3A_692 : vector<1x768xf32>
      %swap3A_694 = arith.constant 60 : index
      %swap3A_695 = arith.constant 0 : index
      %swap3A_696 = vector.load %arg7[%swap3A_694, %swap3A_695] : memref<80x768xf32, #tpu.memory_space<vmem>>, vector<1x768xf32>
      tpu.vector_store %arg7[%swap3A_694, %swap3A_695], %mul3A_693 {strides = array<i32>} : memref<80x768xf32, #tpu.memory_space<vmem>>, vector<1x768xf32>,
      %slice3A_697 = vector.extract_strided_slice %add3A_480 {offsets = [21, 0], sizes = [1, 768], strides = [1, 1]} : vector<40x768xf32> to vector<1x768xf32>
      %add3A_698 = arith.constant 21 : i32
      %add3A_699 = arith.addi %mul3A_486, %add3A_698 : i32
      %get3A_700 = arith.index_cast %add3A_699 : i32 to index
      %get3A_701 = memref.load %arg6[%get3A_700] : memref<2560xf32, #tpu.memory_space<smem>>
      %mul3A_702 = vector.broadcast %get3A_701 : f32 to vector<1x768xf32>
      %mul3A_703 = arith.mulf %slice3A_697, %mul3A_702 : vector<1x768xf32>
      %swap3A_704 = arith.constant 61 : index
      %swap3A_705 = arith.constant 0 : index
      %swap3A_706 = vector.load %arg7[%swap3A_704, %swap3A_705] : memref<80x768xf32, #tpu.memory_space<vmem>>, vector<1x768xf32>
      tpu.vector_store %arg7[%swap3A_704, %swap3A_705], %mul3A_703 {strides = array<i32>} : memref<80x768xf32, #tpu.memory_space<vmem>>, vector<1x768xf32>,
      %slice3A_707 = vector.extract_strided_slice %add3A_480 {offsets = [22, 0], sizes = [1, 768], strides = [1, 1]} : vector<40x768xf32> to vector<1x768xf32>
      %add3A_708 = arith.constant 22 : i32
      %add3A_709 = arith.addi %mul3A_486, %add3A_708 : i32
      %get3A_710 = arith.index_cast %add3A_709 : i32 to index
      %get3A_711 = memref.load %arg6[%get3A_710] : memref<2560xf32, #tpu.memory_space<smem>>
      %mul3A_712 = vector.broadcast %get3A_711 : f32 to vector<1x768xf32>
      %mul3A_713 = arith.mulf %slice3A_707, %mul3A_712 : vector<1x768xf32>
      %swap3A_714 = arith.constant 62 : index
      %swap3A_715 = arith.constant 0 : index
      %swap3A_716 = vector.load %arg7[%swap3A_714, %swap3A_715] : memref<80x768xf32, #tpu.memory_space<vmem>>, vector<1x768xf32>
      tpu.vector_store %arg7[%swap3A_714, %swap3A_715], %mul3A_713 {strides = array<i32>} : memref<80x768xf32, #tpu.memory_space<vmem>>, vector<1x768xf32>,
      %slice3A_717 = vector.extract_strided_slice %add3A_480 {offsets = [23, 0], sizes = [1, 768], strides = [1, 1]} : vector<40x768xf32> to vector<1x768xf32>
      %add3A_718 = arith.constant 23 : i32
      %add3A_719 = arith.addi %mul3A_486, %add3A_718 : i32
      %get3A_720 = arith.index_cast %add3A_719 : i32 to index
      %get3A_721 = memref.load %arg6[%get3A_720] : memref<2560xf32, #tpu.memory_space<smem>>
      %mul3A_722 = vector.broadcast %get3A_721 : f32 to vector<1x768xf32>
      %mul3A_723 = arith.mulf %slice3A_717, %mul3A_722 : vector<1x768xf32>
      %swap3A_724 = arith.constant 63 : index
      %swap3A_725 = arith.constant 0 : index
      %swap3A_726 = vector.load %arg7[%swap3A_724, %swap3A_725] : memref<80x768xf32, #tpu.memory_space<vmem>>, vector<1x768xf32>
      tpu.vector_store %arg7[%swap3A_724, %swap3A_725], %mul3A_723 {strides = array<i32>} : memref<80x768xf32, #tpu.memory_space<vmem>>, vector<1x768xf32>,
      %slice3A_727 = vector.extract_strided_slice %add3A_480 {offsets = [24, 0], sizes = [1, 768], strides = [1, 1]} : vector<40x768xf32> to vector<1x768xf32>
      %add3A_728 = arith.constant 24 : i32
      %add3A_729 = arith.addi %mul3A_486, %add3A_728 : i32
      %get3A_730 = arith.index_cast %add3A_729 : i32 to index
      %get3A_731 = memref.load %arg6[%get3A_730] : memref<2560xf32, #tpu.memory_space<smem>>
      %mul3A_732 = vector.broadcast %get3A_731 : f32 to vector<1x768xf32>
      %mul3A_733 = arith.mulf %slice3A_727, %mul3A_732 : vector<1x768xf32>
      %swap3A_734 = arith.constant 64 : index
      %swap3A_735 = arith.constant 0 : index
      %swap3A_736 = vector.load %arg7[%swap3A_734, %swap3A_735] : memref<80x768xf32, #tpu.memory_space<vmem>>, vector<1x768xf32>
      tpu.vector_store %arg7[%swap3A_734, %swap3A_735], %mul3A_733 {strides = array<i32>} : memref<80x768xf32, #tpu.memory_space<vmem>>, vector<1x768xf32>,
      %slice3A_737 = vector.extract_strided_slice %add3A_480 {offsets = [25, 0], sizes = [1, 768], strides = [1, 1]} : vector<40x768xf32> to vector<1x768xf32>
      %add3A_738 = arith.constant 25 : i32
      %add3A_739 = arith.addi %mul3A_486, %add3A_738 : i32
      %get3A_740 = arith.index_cast %add3A_739 : i32 to index
      %get3A_741 = memref.load %arg6[%get3A_740] : memref<2560xf32, #tpu.memory_space<smem>>
      %mul3A_742 = vector.broadcast %get3A_741 : f32 to vector<1x768xf32>
      %mul3A_743 = arith.mulf %slice3A_737, %mul3A_742 : vector<1x768xf32>
      %swap3A_744 = arith.constant 65 : index
      %swap3A_745 = arith.constant 0 : index
      %swap3A_746 = vector.load %arg7[%swap3A_744, %swap3A_745] : memref<80x768xf32, #tpu.memory_space<vmem>>, vector<1x768xf32>
      tpu.vector_store %arg7[%swap3A_744, %swap3A_745], %mul3A_743 {strides = array<i32>} : memref<80x768xf32, #tpu.memory_space<vmem>>, vector<1x768xf32>,
      %slice3A_747 = vector.extract_strided_slice %add3A_480 {offsets = [26, 0], sizes = [1, 768], strides = [1, 1]} : vector<40x768xf32> to vector<1x768xf32>
      %add3A_748 = arith.constant 26 : i32
      %add3A_749 = arith.addi %mul3A_486, %add3A_748 : i32
      %get3A_750 = arith.index_cast %add3A_749 : i32 to index
      %get3A_751 = memref.load %arg6[%get3A_750] : memref<2560xf32, #tpu.memory_space<smem>>
      %mul3A_752 = vector.broadcast %get3A_751 : f32 to vector<1x768xf32>
      %mul3A_753 = arith.mulf %slice3A_747, %mul3A_752 : vector<1x768xf32>
      %swap3A_754 = arith.constant 66 : index
      %swap3A_755 = arith.constant 0 : index
      %swap3A_756 = vector.load %arg7[%swap3A_754, %swap3A_755] : memref<80x768xf32, #tpu.memory_space<vmem>>, vector<1x768xf32>
      tpu.vector_store %arg7[%swap3A_754, %swap3A_755], %mul3A_753 {strides = array<i32>} : memref<80x768xf32, #tpu.memory_space<vmem>>, vector<1x768xf32>,
      %slice3A_757 = vector.extract_strided_slice %add3A_480 {offsets = [27, 0], sizes = [1, 768], strides = [1, 1]} : vector<40x768xf32> to vector<1x768xf32>
      %add3A_758 = arith.constant 27 : i32
      %add3A_759 = arith.addi %mul3A_486, %add3A_758 : i32
      %get3A_760 = arith.index_cast %add3A_759 : i32 to index
      %get3A_761 = memref.load %arg6[%get3A_760] : memref<2560xf32, #tpu.memory_space<smem>>
      %mul3A_762 = vector.broadcast %get3A_761 : f32 to vector<1x768xf32>
      %mul3A_763 = arith.mulf %slice3A_757, %mul3A_762 : vector<1x768xf32>
      %swap3A_764 = arith.constant 67 : index
      %swap3A_765 = arith.constant 0 : index
      %swap3A_766 = vector.load %arg7[%swap3A_764, %swap3A_765] : memref<80x768xf32, #tpu.memory_space<vmem>>, vector<1x768xf32>
      tpu.vector_store %arg7[%swap3A_764, %swap3A_765], %mul3A_763 {strides = array<i32>} : memref<80x768xf32, #tpu.memory_space<vmem>>, vector<1x768xf32>,
      %slice3A_767 = vector.extract_strided_slice %add3A_480 {offsets = [28, 0], sizes = [1, 768], strides = [1, 1]} : vector<40x768xf32> to vector<1x768xf32>
      %add3A_768 = arith.constant 28 : i32
      %add3A_769 = arith.addi %mul3A_486, %add3A_768 : i32
      %get3A_770 = arith.index_cast %add3A_769 : i32 to index
      %get3A_771 = memref.load %arg6[%get3A_770] : memref<2560xf32, #tpu.memory_space<smem>>
      %mul3A_772 = vector.broadcast %get3A_771 : f32 to vector<1x768xf32>
      %mul3A_773 = arith.mulf %slice3A_767, %mul3A_772 : vector<1x768xf32>
      %swap3A_774 = arith.constant 68 : index
      %swap3A_775 = arith.constant 0 : index
      %swap3A_776 = vector.load %arg7[%swap3A_774, %swap3A_775] : memref<80x768xf32, #tpu.memory_space<vmem>>, vector<1x768xf32>
      tpu.vector_store %arg7[%swap3A_774, %swap3A_775], %mul3A_773 {strides = array<i32>} : memref<80x768xf32, #tpu.memory_space<vmem>>, vector<1x768xf32>,
      %slice3A_777 = vector.extract_strided_slice %add3A_480 {offsets = [29, 0], sizes = [1, 768], strides = [1, 1]} : vector<40x768xf32> to vector<1x768xf32>
      %add3A_778 = arith.constant 29 : i32
      %add3A_779 = arith.addi %mul3A_486, %add3A_778 : i32
      %get3A_780 = arith.index_cast %add3A_779 : i32 to index
      %get3A_781 = memref.load %arg6[%get3A_780] : memref<2560xf32, #tpu.memory_space<smem>>
      %mul3A_782 = vector.broadcast %get3A_781 : f32 to vector<1x768xf32>
      %mul3A_783 = arith.mulf %slice3A_777, %mul3A_782 : vector<1x768xf32>
      %swap3A_784 = arith.constant 69 : index
      %swap3A_785 = arith.constant 0 : index
      %swap3A_786 = vector.load %arg7[%swap3A_784, %swap3A_785] : memref<80x768xf32, #tpu.memory_space<vmem>>, vector<1x768xf32>
      tpu.vector_store %arg7[%swap3A_784, %swap3A_785], %mul3A_783 {strides = array<i32>} : memref<80x768xf32, #tpu.memory_space<vmem>>, vector<1x768xf32>,
      %slice3A_787 = vector.extract_strided_slice %add3A_480 {offsets = [30, 0], sizes = [1, 768], strides = [1, 1]} : vector<40x768xf32> to vector<1x768xf32>
      %add3A_788 = arith.constant 30 : i32
      %add3A_789 = arith.addi %mul3A_486, %add3A_788 : i32
      %get3A_790 = arith.index_cast %add3A_789 : i32 to index
      %get3A_791 = memref.load %arg6[%get3A_790] : memref<2560xf32, #tpu.memory_space<smem>>
      %mul3A_792 = vector.broadcast %get3A_791 : f32 to vector<1x768xf32>
      %mul3A_793 = arith.mulf %slice3A_787, %mul3A_792 : vector<1x768xf32>
      %swap3A_794 = arith.constant 70 : index
      %swap3A_795 = arith.constant 0 : index
      %swap3A_796 = vector.load %arg7[%swap3A_794, %swap3A_795] : memref<80x768xf32, #tpu.memory_space<vmem>>, vector<1x768xf32>
      tpu.vector_store %arg7[%swap3A_794, %swap3A_795], %mul3A_793 {strides = array<i32>} : memref<80x768xf32, #tpu.memory_space<vmem>>, vector<1x768xf32>,
      %slice3A_797 = vector.extract_strided_slice %add3A_480 {offsets = [31, 0], sizes = [1, 768], strides = [1, 1]} : vector<40x768xf32> to vector<1x768xf32>
      %add3A_798 = arith.constant 31 : i32
      %add3A_799 = arith.addi %mul3A_486, %add3A_798 : i32
      %get3A_800 = arith.index_cast %add3A_799 : i32 to index
      %get3A_801 = memref.load %arg6[%get3A_800] : memref<2560xf32, #tpu.memory_space<smem>>
      %mul3A_802 = vector.broadcast %get3A_801 : f32 to vector<1x768xf32>
      %mul3A_803 = arith.mulf %slice3A_797, %mul3A_802 : vector<1x768xf32>
      %swap3A_804 = arith.constant 71 : index
      %swap3A_805 = arith.constant 0 : index
      %swap3A_806 = vector.load %arg7[%swap3A_804, %swap3A_805] : memref<80x768xf32, #tpu.memory_space<vmem>>, vector<1x768xf32>
      tpu.vector_store %arg7[%swap3A_804, %swap3A_805], %mul3A_803 {strides = array<i32>} : memref<80x768xf32, #tpu.memory_space<vmem>>, vector<1x768xf32>,
      %slice3A_807 = vector.extract_strided_slice %add3A_480 {offsets = [32, 0], sizes = [1, 768], strides = [1, 1]} : vector<40x768xf32> to vector<1x768xf32>
      %add3A_808 = arith.constant 32 : i32
      %add3A_809 = arith.addi %mul3A_486, %add3A_808 : i32
      %get3A_810 = arith.index_cast %add3A_809 : i32 to index
      %get3A_811 = memref.load %arg6[%get3A_810] : memref<2560xf32, #tpu.memory_space<smem>>
      %mul3A_812 = vector.broadcast %get3A_811 : f32 to vector<1x768xf32>
      %mul3A_813 = arith.mulf %slice3A_807, %mul3A_812 : vector<1x768xf32>
      %swap3A_814 = arith.constant 72 : index
      %swap3A_815 = arith.constant 0 : index
      %swap3A_816 = vector.load %arg7[%swap3A_814, %swap3A_815] : memref<80x768xf32, #tpu.memory_space<vmem>>, vector<1x768xf32>
      tpu.vector_store %arg7[%swap3A_814, %swap3A_815], %mul3A_813 {strides = array<i32>} : memref<80x768xf32, #tpu.memory_space<vmem>>, vector<1x768xf32>,
      %slice3A_817 = vector.extract_strided_slice %add3A_480 {offsets = [33, 0], sizes = [1, 768], strides = [1, 1]} : vector<40x768xf32> to vector<1x768xf32>
      %add3A_818 = arith.constant 33 : i32
      %add3A_819 = arith.addi %mul3A_486, %add3A_818 : i32
      %get3A_820 = arith.index_cast %add3A_819 : i32 to index
      %get3A_821 = memref.load %arg6[%get3A_820] : memref<2560xf32, #tpu.memory_space<smem>>
      %mul3A_822 = vector.broadcast %get3A_821 : f32 to vector<1x768xf32>
      %mul3A_823 = arith.mulf %slice3A_817, %mul3A_822 : vector<1x768xf32>
      %swap3A_824 = arith.constant 73 : index
      %swap3A_825 = arith.constant 0 : index
      %swap3A_826 = vector.load %arg7[%swap3A_824, %swap3A_825] : memref<80x768xf32, #tpu.memory_space<vmem>>, vector<1x768xf32>
      tpu.vector_store %arg7[%swap3A_824, %swap3A_825], %mul3A_823 {strides = array<i32>} : memref<80x768xf32, #tpu.memory_space<vmem>>, vector<1x768xf32>,
      %slice3A_827 = vector.extract_strided_slice %add3A_480 {offsets = [34, 0], sizes = [1, 768], strides = [1, 1]} : vector<40x768xf32> to vector<1x768xf32>
      %add3A_828 = arith.constant 34 : i32
      %add3A_829 = arith.addi %mul3A_486, %add3A_828 : i32
      %get3A_830 = arith.index_cast %add3A_829 : i32 to index
      %get3A_831 = memref.load %arg6[%get3A_830] : memref<2560xf32, #tpu.memory_space<smem>>
      %mul3A_832 = vector.broadcast %get3A_831 : f32 to vector<1x768xf32>
      %mul3A_833 = arith.mulf %slice3A_827, %mul3A_832 : vector<1x768xf32>
      %swap3A_834 = arith.constant 74 : index
      %swap3A_835 = arith.constant 0 : index
      %swap3A_836 = vector.load %arg7[%swap3A_834, %swap3A_835] : memref<80x768xf32, #tpu.memory_space<vmem>>, vector<1x768xf32>
      tpu.vector_store %arg7[%swap3A_834, %swap3A_835], %mul3A_833 {strides = array<i32>} : memref<80x768xf32, #tpu.memory_space<vmem>>, vector<1x768xf32>,
      %slice3A_837 = vector.extract_strided_slice %add3A_480 {offsets = [35, 0], sizes = [1, 768], strides = [1, 1]} : vector<40x768xf32> to vector<1x768xf32>
      %add3A_838 = arith.constant 35 : i32
      %add3A_839 = arith.addi %mul3A_486, %add3A_838 : i32
      %get3A_840 = arith.index_cast %add3A_839 : i32 to index
      %get3A_841 = memref.load %arg6[%get3A_840] : memref<2560xf32, #tpu.memory_space<smem>>
      %mul3A_842 = vector.broadcast %get3A_841 : f32 to vector<1x768xf32>
      %mul3A_843 = arith.mulf %slice3A_837, %mul3A_842 : vector<1x768xf32>
      %swap3A_844 = arith.constant 75 : index
      %swap3A_845 = arith.constant 0 : index
      %swap3A_846 = vector.load %arg7[%swap3A_844, %swap3A_845] : memref<80x768xf32, #tpu.memory_space<vmem>>, vector<1x768xf32>
      tpu.vector_store %arg7[%swap3A_844, %swap3A_845], %mul3A_843 {strides = array<i32>} : memref<80x768xf32, #tpu.memory_space<vmem>>, vector<1x768xf32>,
      %slice3A_847 = vector.extract_strided_slice %add3A_480 {offsets = [36, 0], sizes = [1, 768], strides = [1, 1]} : vector<40x768xf32> to vector<1x768xf32>
      %add3A_848 = arith.constant 36 : i32
      %add3A_849 = arith.addi %mul3A_486, %add3A_848 : i32
      %get3A_850 = arith.index_cast %add3A_849 : i32 to index
      %get3A_851 = memref.load %arg6[%get3A_850] : memref<2560xf32, #tpu.memory_space<smem>>
      %mul3A_852 = vector.broadcast %get3A_851 : f32 to vector<1x768xf32>
      %mul3A_853 = arith.mulf %slice3A_847, %mul3A_852 : vector<1x768xf32>
      %swap3A_854 = arith.constant 76 : index
      %swap3A_855 = arith.constant 0 : index
      %swap3A_856 = vector.load %arg7[%swap3A_854, %swap3A_855] : memref<80x768xf32, #tpu.memory_space<vmem>>, vector<1x768xf32>
      tpu.vector_store %arg7[%swap3A_854, %swap3A_855], %mul3A_853 {strides = array<i32>} : memref<80x768xf32, #tpu.memory_space<vmem>>, vector<1x768xf32>,
      %slice3A_857 = vector.extract_strided_slice %add3A_480 {offsets = [37, 0], sizes = [1, 768], strides = [1, 1]} : vector<40x768xf32> to vector<1x768xf32>
      %add3A_858 = arith.constant 37 : i32
      %add3A_859 = arith.addi %mul3A_486, %add3A_858 : i32
      %get3A_860 = arith.index_cast %add3A_859 : i32 to index
      %get3A_861 = memref.load %arg6[%get3A_860] : memref<2560xf32, #tpu.memory_space<smem>>
      %mul3A_862 = vector.broadcast %get3A_861 : f32 to vector<1x768xf32>
      %mul3A_863 = arith.mulf %slice3A_857, %mul3A_862 : vector<1x768xf32>
      %swap3A_864 = arith.constant 77 : index
      %swap3A_865 = arith.constant 0 : index
      %swap3A_866 = vector.load %arg7[%swap3A_864, %swap3A_865] : memref<80x768xf32, #tpu.memory_space<vmem>>, vector<1x768xf32>
      tpu.vector_store %arg7[%swap3A_864, %swap3A_865], %mul3A_863 {strides = array<i32>} : memref<80x768xf32, #tpu.memory_space<vmem>>, vector<1x768xf32>,
      %slice3A_867 = vector.extract_strided_slice %add3A_480 {offsets = [38, 0], sizes = [1, 768], strides = [1, 1]} : vector<40x768xf32> to vector<1x768xf32>
      %add3A_868 = arith.constant 38 : i32
      %add3A_869 = arith.addi %mul3A_486, %add3A_868 : i32
      %get3A_870 = arith.index_cast %add3A_869 : i32 to index
      %get3A_871 = memref.load %arg6[%get3A_870] : memref<2560xf32, #tpu.memory_space<smem>>
      %mul3A_872 = vector.broadcast %get3A_871 : f32 to vector<1x768xf32>
      %mul3A_873 = arith.mulf %slice3A_867, %mul3A_872 : vector<1x768xf32>
      %swap3A_874 = arith.constant 78 : index
      %swap3A_875 = arith.constant 0 : index
      %swap3A_876 = vector.load %arg7[%swap3A_874, %swap3A_875] : memref<80x768xf32, #tpu.memory_space<vmem>>, vector<1x768xf32>
      tpu.vector_store %arg7[%swap3A_874, %swap3A_875], %mul3A_873 {strides = array<i32>} : memref<80x768xf32, #tpu.memory_space<vmem>>, vector<1x768xf32>,
      %slice3A_877 = vector.extract_strided_slice %add3A_480 {offsets = [39, 0], sizes = [1, 768], strides = [1, 1]} : vector<40x768xf32> to vector<1x768xf32>
      %add3A_878 = arith.constant 39 : i32
      %add3A_879 = arith.addi %mul3A_486, %add3A_878 : i32
      %get3A_880 = arith.index_cast %add3A_879 : i32 to index
      %get3A_881 = memref.load %arg6[%get3A_880] : memref<2560xf32, #tpu.memory_space<smem>>
      %mul3A_882 = vector.broadcast %get3A_881 : f32 to vector<1x768xf32>
      %mul3A_883 = arith.mulf %slice3A_877, %mul3A_882 : vector<1x768xf32>
      %swap3A_884 = arith.constant 79 : index
      %swap3A_885 = arith.constant 0 : index
      %swap3A_886 = vector.load %arg7[%swap3A_884, %swap3A_885] : memref<80x768xf32, #tpu.memory_space<vmem>>, vector<1x768xf32>
      tpu.vector_store %arg7[%swap3A_884, %swap3A_885], %mul3A_883 {strides = array<i32>} : memref<80x768xf32, #tpu.memory_space<vmem>>, vector<1x768xf32>,
    } else {
    }
    %eq3A = arith.constant 32 : i32
    %eq3A_2 = arith.cmpi eq, %arg0, %eq3A : i32
    %convert_element_type3A_3 = arith.extui %eq3A_2 : i1 to i32
    %cond3A_4 = arith.constant 0 : i32
    %cond3A_5 = arith.cmpi ne, %convert_element_type3A_3, %cond3A_4 : i32
    scf.if %cond3A_5 {
      %broadcast_in_dim3A = arith.constant 0.000000e+00 : f32
      %broadcast_in_dim3A_6 = vector.broadcast %broadcast_in_dim3A : f32 to vector<80x768xf32>
      %swap3A = arith.constant 0 : index
      %swap3A_7 = arith.constant 0 : index
      %swap3A_8 = vector.load %arg7[%swap3A, %swap3A_7] : memref<80x768xf32, #tpu.memory_space<vmem>>, vector<80x768xf32>
      tpu.vector_store %arg7[%swap3A, %swap3A_7], %broadcast_in_dim3A_6 {strides = array<i32>} : memref<80x768xf32, #tpu.memory_space<vmem>>, vector<80x768xf32>,
    } else {
    }
    return
  }
  func.func @transform_0(%arg0: i32) -> (i32, i32) {
    %min3A = arith.constant 31 : i32
    %min3A_0 = arith.minsi %arg0, %min3A : i32
    %c0_i32 = arith.constant 0 : i32
    %c0_i32_1 = arith.constant 0 : i32
    return %min3A_0, %c0_i32 : i32, i32
  }
  func.func @transform_1(%arg0: i32) -> (i32, i32, i32) {
    %min3A = arith.constant 31 : i32
    %min3A_0 = arith.minsi %arg0, %min3A : i32
    %c0_i32 = arith.constant 0 : i32
    %c0_i32_1 = arith.constant 0 : i32
    %c0_i32_2 = arith.constant 0 : i32
    return %min3A_0, %c0_i32, %c0_i32_1 : i32, i32, i32
  }
  func.func @transform_2(%arg0: i32) -> (i32, i32) {
    %c0_i32 = arith.constant 0 : i32
    %c0_i32_0 = arith.constant 0 : i32
    %c0_i32_1 = arith.constant 0 : i32
    return %c0_i32, %c0_i32_0 : i32, i32
  }
  func.func @transform_3(%arg0: i32) -> (i32, i32, i32) {
    %min3A = arith.constant 31 : i32
    %min3A_0 = arith.minsi %arg0, %min3A : i32
    %c0_i32 = arith.constant 0 : i32
    %c0_i32_1 = arith.constant 0 : i32
    %c0_i32_2 = arith.constant 0 : i32
    return %min3A_0, %c0_i32, %c0_i32_1 : i32, i32, i32
  }
  func.func @transform_4(%arg0: i32) -> (i32, i32) {
    %c0_i32 = arith.constant 0 : i32
    %c0_i32_0 = arith.constant 0 : i32
    %c0_i32_1 = arith.constant 0 : i32
    return %c0_i32, %c0_i32_0 : i32, i32
  }
  func.func @transform_5(%arg0: i32) -> i32 {
    %c0_i32 = arith.constant 0 : i32
    %c0_i32_0 = arith.constant 0 : i32
    return %c0_i32 : i32
  }
  func.func @transform_6(%arg0: i32) -> (i32, i32) {
    %c0_i32 = arith.constant 0 : i32
    %c0_i32_0 = arith.constant 0 : i32
    return %arg0, %c0_i32 : i32, i32
  }
}

</mosaic_0001>

<sc_bundles>
// kernel: kernel.6.cloned.1.call-start
scs
__scs_entry_jumppad:
0x0: {  	(pc) =	sbr.rel $0x88, $3  }
0x1: {  	(tag) =	ssettag $0x0;
	lr =	simm.s32 $0x1  }
0x2: {  	[smem:$0x3F9B] =	sst lr;
	_ =	strace $0xD0000000  }
0x3: {  	_ = 	snop  }
0x4: {  	_ = 	snop  }
0x5: {  	_ = 	snop  }
0x6: {  	_ = 	snop  }
0x7: {  	_ = 	snop  }
__scs_overlays_trampoline_lowered:
0x8: {  	[smem:$0x3FAA] =	sst s0  }
0x9: {  	[smem:$0x3FAB] =	sst s1  }
0xa: {  	[smem:$0x3FAC] =	sst s2  }
0xb: {  	[smem:$0x3FAD] =	sst s3  }
0xc: {  	[smem:$0x3FAE] =	sst s4  }
0xd: {  	[smem:$0x3FAF] =	sst s5  }
0xe: {  	[smem:$0x3FB0] =	sst s6  }
0xf: {  	[smem:$0x3FB1] =	sst s7  }
0x10: {  	[smem:$0x3FB2] =	sst s8  }
0x11: {  	[smem:$0x3FB3] =	sst s9;
	s0 =	simm.s32 @!p0 $0x0  }
0x12: {  	s1 =	sld [smem:$0x3F99];
	s0 =	simm.s32 @p0 $0x1  }
0x13: {  	[smem:$0x3FB4] =	sst s0;
	s0 =	simm.s32 @!p1 $0x0  }
0x14: {  	s2 =	sld [smem:$0x3F98];
	s0 =	simm.s32 @p1 $0x1  }
0x15: {  	[smem:$0x3FB5] =	sst s0;
	s0 =	simm.s32 @!p2 $0x0  }
0x16: {  	s3 =	sld [smem:$0x3FDB];
	s0 =	simm.s32 @p2 $0x1  }
0x17: {  	s4 =	simm.s32 $0x1BF5;
	[smem:$0x3FB7] =	sst s0  }
0x18: {  	s0 =	sld [smem:$0x3F9A];
	_ =	swait.ge [sflag:s4], $0x0  }
0x19: {  	s7 =	sld [smem:$0x3F9B]  }
0x1a: {  	s8 =	sadd.s32 $0xFFFFE003, lr  }
0x1b: {  	s9 =	sadd.s32 $0xFFFFFEF7, lr;
	s5 =	simm.s32 $0xFFFFFFFF;
	p2 =	slt.u32 s8, $0xFFFFF086  }
0x1c: {  	p1 =	slt.u32 s9, $0xF7A;
	s5 =	simm.s32 @!p2 $0x0  }
0x1d: {  	s5 =	simm.s32 @p1 $0x1;
	p0 =	seq.s32 s7, s2  }
0x1e: {  	s7 =	smul.u32 @!p0 $0xF7A, s2;
	p2 =	seq.s32 @!p0 s5, $0x0  }
0x1f: {  	s9 =	smul.u32 $0xF7A, s1;
	s8 =	simm.s32 @!p0 $0x1BF5;
	p2 =	por !p2, p0  }
0x20: {  	[sflag:s8] =	ssyncset.s32 @!p0 $0xFFFFF086;
	s6 =	sadd.s32 @!p0 s3, s7;
	s7 =	simm.s32 @!p0 $0x108  }
0x21: {  	s3 =	sadd.s32 s3, s9;
	s6 =	sadd.s32 @!p0 $0x88, s6;
	s7 =	simm.s32 @p2 $0x1082  }
0x22: {  	[simem:s7], [sflag:s8] =	dma.local @!p0 [hbm:s6], $0xF7A  }
0x23: {  	s9 =	sor.u32 $0xD0000000, s2;
	s6 =	simm.s32 $0x108;
	_ =	swait.ge @!p0 [sflag:s8], $0x0  }
0x24: {  	s3 =	sadd.s32 $0x88, s3;
	s6 =	simm.s32 @!p1 $0x1082;
	[sflag:s4] =	ssyncset.s32 $0xFFFFF086  }
0x25: {  	[simem:s6], [sflag:s4] =	dma.local [hbm:s3], $0xF7A  }
0x26: {  	[smem:$0x3F9B] =	sst s1;
	(tag) =	ssettag s2;
	_ =	strace s9  }
0x27: {  	s1 =	sld [smem:$0x3FAB]  }
0x28: {  	s2 =	sld [smem:$0x3FAC]  }
0x29: {  	s4 =	sld [smem:$0x3FAE]  }
0x2a: {  	p0 =	seq.s32 s5, $0x0;
	s5 =	sld [smem:$0x3FAF]  }
0x2b: {  	s6 =	sld [smem:$0x3FB0]  }
0x2c: {  	s7 =	sld [smem:$0x3FB1]  }
0x2d: {  	s3 =	simm.s32 $0x108;
	s8 =	sld [smem:$0x3FB2]  }
0x2e: {  	s3 =	simm.s32 @!p0 $0x1082;
	s9 =	sld [smem:$0x3FB3]  }
0x2f: {  	lr =	sadd.s32 s0, s3;
	s0 =	sld [smem:$0x3FAA]  }
0x30: {  	s3 =	sld [smem:$0x3FAD]  }
0x31: {  	[smem:$0x3FB6] =	sst s10  }
0x32: {  	s10 =	sld [smem:$0x3FB4];
	_ =	sdelay $0x3  }
0x33: {  	p0 =	seq.s32 s10, $0x1;
	s10 =	sld [smem:$0x3FB6];
	_ =	sdelay $0x3  }
0x34: {  	[smem:$0x3FB6] =	sst s10  }
0x35: {  	s10 =	sld [smem:$0x3FB5];
	_ =	sdelay $0x3  }
0x36: {  	p1 =	seq.s32 s10, $0x1;
	s10 =	sld [smem:$0x3FB6];
	_ =	sdelay $0x3  }
0x37: {  	[smem:$0x3FB6] =	sst s10  }
0x38: {  	s10 =	sld [smem:$0x3FB7]  }
0x39: {  	_ = 	snop;
	(pc) =	sbr.ind lr, $3  }
0x3a: {  	_ = 	snop  }
0x3b: {  	_ = 	snop  }
0x3c: {  	p2 =	seq.s32 s10, $0x1;
	s10 =	sld [smem:$0x3FB6]  }
0x3d: {  	_ =	shalt  }
0x3e: {  	_ =	shalt  }
0x3f: {  	_ =	shalt  }
0x40: {  	_ =	shalt  }
0x41: {  	_ =	shalt  }
0x42: {  	_ =	shalt  }
0x43: {  	_ =	shalt  }
0x44: {  	_ =	shalt  }
0x45: {  	_ =	shalt  }
0x46: {  	_ =	shalt  }
0x47: {  	_ =	shalt  }
0x48: {  	_ =	shalt  }
0x49: {  	_ =	shalt  }
0x4a: {  	_ =	shalt  }
0x4b: {  	_ =	shalt  }
0x4c: {  	_ =	shalt  }
0x4d: {  	_ =	shalt  }
0x4e: {  	_ =	shalt  }
0x4f: {  	_ =	shalt  }
0x50: {  	_ =	shalt  }
0x51: {  	_ =	shalt  }
0x52: {  	_ =	shalt  }
0x53: {  	_ =	shalt  }
0x54: {  	_ =	shalt  }
0x55: {  	_ =	shalt  }
0x56: {  	_ =	shalt  }
0x57: {  	_ =	shalt  }
0x58: {  	_ =	shalt  }
0x59: {  	_ =	shalt  }
0x5a: {  	_ =	shalt  }
0x5b: {  	_ =	shalt  }
0x5c: {  	_ =	shalt  }
0x5d: {  	_ =	shalt  }
0x5e: {  	_ =	shalt  }
0x5f: {  	_ =	shalt  }
0x60: {  	_ =	shalt  }
0x61: {  	_ =	shalt  }
0x62: {  	_ =	shalt  }
0x63: {  	_ =	shalt  }
0x64: {  	_ =	shalt  }
0x65: {  	_ =	shalt  }
0x66: {  	_ =	shalt  }
0x67: {  	_ =	shalt  }
0x68: {  	_ =	shalt  }
0x69: {  	_ =	shalt  }
0x6a: {  	_ =	shalt  }
0x6b: {  	_ =	shalt  }
0x6c: {  	_ =	shalt  }
0x6d: {  	_ =	shalt  }
0x6e: {  	_ =	shalt  }
0x6f: {  	_ =	shalt  }
0x70: {  	_ =	shalt  }
0x71: {  	_ =	shalt  }
0x72: {  	_ =	shalt  }
0x73: {  	_ =	shalt  }
0x74: {  	_ =	shalt  }
0x75: {  	_ =	shalt  }
0x76: {  	_ =	shalt  }
0x77: {  	_ =	shalt  }
0x78: {  	_ =	shalt  }
0x79: {  	_ =	shalt  }
0x7a: {  	_ =	shalt  }
0x7b: {  	_ =	shalt  }
0x7c: {  	_ =	shalt  }
0x7d: {  	_ =	shalt  }
0x7e: {  	_ =	shalt  }
0x7f: {  	_ =	shalt  }
0x80: {  	_ =	shalt  }
0x81: {  	_ =	shalt  }
0x82: {  	_ =	shalt  }
0x83: {  	_ =	shalt  }
0x84: {  	_ =	shalt  }
0x85: {  	_ =	shalt  }
0x86: {  	_ =	shalt  }
0x87: {  	_ =	shalt  }
.Lfunc_end0:
.L_simem_size_0:
called_computation_lowered:
.L_overlay_start_0:
0x88: {  	s2 =	sld [smem:$0x3FD9]  }
0x89: {  	s3 =	sld [smem:$0x3FFE];
	_ =	sdelay $0x1  }
0x8a: {  	s1 =	srdreg.scid  }
0x8b: {  	s0 =	sand.u32 $0x1, s1  }
0x8c: {  	s14 =	sshll.u32 s0, $0xA;
	s2 =	sadd.s32 s3, s2  }
0x8d: {  	s2 =	sadd.s32 s2, s14  }
0x8e: {  	[smem:$0x3FC2] =	sst s2  }
0x8f: {  	_ = 	snop  }
0x90: {  	s2 =	sld [smem:$0x3FD0];
	_ =	sdelay $0x2  }
0x91: {  	s4 =	simm.s32 $0xA;
	s5 =	simm.s32 $0x10;
	s15 =	sld [smem:$0x3FC9]  }
0x92: {  	[smem:s5], [sflag:s4] =	dma.local [hbm:s2], $0x1  }
0x93: {  	_ =	swait.eq [sflag:s4], $0x1  }
0x94: {  	[sflag:s4] =	ssyncset.done $0x0  }
0x95: {  	[sflag:s4] =	ssyncadd.s32 $0xFFFFFFFF  }
0x96: {  	s16 =	sld [smem:$0x10];
	(tm) =	ssettm $0x1  }
0x97: {  	s17 =	sld [smem:$0x3FFB];
	_ =	sdelay $0x3  }
0x98: {  	_ =	strace s17  }
0x99: {  	s4 =	sld [smem:$0x3FFC];
	_ =	sdelay $0x3  }
0x9a: {  	_ =	strace s4  }
0x9b: {  	s4 =	sld [smem:$0x3FFD];
	_ =	sdelay $0x3  }
0x9c: {  	_ =	strace s4  }
0x9d: {  	_ =	strace $0x8FFFFFFF  }
0x9e: {  	s18 =	sld [smem:$0x3FDB];
	_ =	sdelay $0x1  }
0x9f: {  	s19 =	simm.s32 $_scs_section_size  }
0xa0: {  	s6 =	simm.s32 $_size__tile_overlayer_lowered;
	s7 =	simm.s32 $_tile_overlayer_lowered  }
0xa1: {  	s22 =	simm.s32 $0x1BFF;
	s21 =	sshll.u32 s7, $0x1;
	s4 =	sadd.s32 s19, s18  }
0xa2: {  	s8 =	simm.s32 $0x0;
	s20 =	sshll.u32 s6, $0x1;
	s6 =	sadd.s32 s21, s4  }
0xa3: {  	[timem:s8], [sflag:s22] =	dma.local [hbm:s6], s20  }
0xa4: {  	_ =	swait.ge [sflag:s22], s20  }
0xa5: {  	s5 =	ssub.s32 $0x0, s20;
	[sflag:s22] =	ssyncset.done $0x0  }
0xa6: {  	[sflag:s22] =	ssyncadd.s32 s5;
	_ =	sdelay $0x1  }
0xa7: {  	s23 =	simm.s32 $0x1B8B  }
0xa8: {  	_ =	swait.ge [sflag:s23], $0x1  }
0xa9: {  	[sflag:s23] =	ssyncset.done $0x0  }
0xaa: {  	s25 =	simm.s32 $0x1B8E;
	s24 =	sld [smem:$0x3FFE];
	[sflag:s23] =	ssyncadd.s32 $0xFFFFFFFF  }
0xab: {  	s26 =	simm.s32 $execute0_lowered;
	[smem:$0x3FD2] =	sst s25  }
0xac: {  	s6 =	sshll.u32 s26, $0x1;
	_ =	strace $0x80000046;
	[dreg:$0x1] =	wrdreg $0xFFFFFFFF  }
0xad: {  	s28 =	simm.s32 $_size_execute0_lowered;
	s4 =	sadd.s32 s4, s6;
	[dreg:$0x0] =	wrdreg $0x0  }
0xae: {  	s6 =	sshll.u32 s28, $0x1;
	[dreg:$0x2] =	wrdreg s4  }
0xaf: {  	[dreg:$0x3] =	wrdreg s6  }
0xb0: {  	[dreg:$0x4] =	wrdreg $0xC0  }
0xb1: {  	_ =	task [dreg:s8], $0x5FFFF  }
0xb2: {  	[dreg:$0x1] =	wrdreg $0xFFFFFFFF  }
0xb3: {  	[dreg:$0x0] =	wrdreg $0x60  }
0xb4: {  	[dreg:$0x2] =	wrdreg s15  }
0xb5: {  	[dreg:$0x3] =	wrdreg s24  }
0xb6: {  	[dreg:$0x4] =	wrdreg s16  }
0xb7: {  	[dreg:$0x5] =	wrdreg $0x9  }
0xb8: {  	_ =	task.clear_ibuf [dreg:s8], $0x6FFFF;
	_ =	strace $0x90000046  }
0xb9: {  	s29 =	simm.s32 $0x9;
	_ =	strace $0x80000048  }
0xba: {  	_ =	swait.ge [sflag:s29], $0x1  }
0xbb: {  	[sflag:s29] =	ssyncadd.s32 $0xFFFFFFFF  }
0xbc: {  	_ =	strace $0x90000048  }
0xbd: {  	_ =	sfence  }
0xbe: {  	s30 =	sld [smem:$0x0];
	_ =	sdelay $0x2  }
0xbf: {  	s31 =	sshll.u32 s1, $0xD;
	s1 =	sshrl.u32 s1, $0x2  }
0xc0: {  	s3 =	sand.u32 $0x4000, s31;
	s1 =	sadd.s32 s1, s30  }
0xc1: {  	s0 =	sor.u32 s3, s0;
	s1 =	sshll.u32 s1, $0x11  }
0xc2: {  	s0 =	sor.u32 s1, s0  }
0xc3: {  	s0 =	sadd.s32 $0x8F2B, s0  }
0xc4: {  	[sflag:s0] =	ssyncadd.remote.s32 $0x1  }
0xc5: {  	_ =	sfence.sel $0xFFFF  }
0xc6: {  	[dreg:$0x0] =	wrdreg $0xFFFFFFFF;
	(pc) =	sbr.abs _section_cstart, $3  }
0xc7: {  	[dreg:$0x1] =	wrdreg $0xFFFFFFFF  }
0xc8: {  	_ =	task.clear_ibuf [dreg:s8], $0x2FFFF;
	_ =	strace $0x9FFFFFFF  }
0xc9: {  	(tm) =	ssettm $0x7FFFFFFF  }
tec
execute0_lowered:
.L_overlay_start_1:
0x0: {  	(tag) =	ssettag $0x1  }
0x1: {  	s1 =	rddreg [dreg:$0x0]  }
0x2: {  	s0 =	rddreg [dreg:$0x1]  }
0x3: {  	s2 =	rddreg [dreg:$0x2]  }
0x4: {  	s3 =	simm.s32 $0x0;
	s4 =	srdreg.scid;
	s6 =	stileid.u32  }
0x5: {  	s18 =	simm.s32 $0x800;
	s19 =	simm.s32 $0x4;
	s20 =	simm.s32 $0x1000  }
0x6: {  	s21 =	simm.s32 $0x1B00;
	s25 =	simm.s32 $0x9300;
	s29 =	simm.s32 $0xFB00  }
0x7: {  	s30 =	simm.s32 $0x10300;
	s31 =	simm.s32 $0x3;
	s22 =	simm.s32 $0x2  }
0x8: {  	s23 =	simm.s32 $0x0;
	[smem:$0x7FF] =	sst s3;
	s5 =	sand.u32 $0x1, s4  }
0x9: {  	s28 =	sshll.u32 s6, $0x1;
	s4 =	sadd.s32 $0x2000, s0;
	s12 =	sadd.s32 $0x100, s1  }
0xa: {  	s13 =	sadd.s32 $0x200, s1;
	s6 =	sor.u32 s5, s28;
	s7 =	ssub.s32 $0x2, s5  }
0xb: {  	_ =	strace $0x80000047;
	s5 =	smul.u32 $0x50, s6;
	s8 =	sshrl.u32 s7, $0x1  }
0xc: {  	v0 =	vlaneseq.u32;
	s6 =	sadd.s32 $0x2200, s0;
	s0 =	sadd.s32 $0x2400, s0;
	s17 =	ssub.s32 s7, s8  }
0xd: {  	vm0 =	vmmov $0xffff;
	v6 =	vand.u32 $0x7, v0;
	v7 =	vshrl.u32 v0, $0x3;
	s7 =	sadd.s32 $0x28, s5;
	s14 =	sshrl.u32 s5, $0x3;
	s8 =	sadd.s32 $0x10, s5  }
0xe: {  	v8 =	vor.u32 $0x8, v0;
	v7 =	vmul.u32 $0x8, v7;
	s9 =	sadd.s32 $0x20, s5;
	v1 =	vor.u32 s5, v0;
	s15 =	smul.u32 $0x300, s14;
	s11 =	sshrl.u32 s7, $0x3  }
0xf: {  	s10 =	sadd.s32 $0x30, s5;
	v1 =	vand.u32 $0x7FF, v1;
	v2 =	vor.u32 s8, v0;
	v3 =	vor.u32 s9, v0;
	s16 =	smul.u32 $0x300, s11;
	s11 =	sadd.s32 $0x40, s5  }
0x10: {  	s17 =	smax.u32 s17, $0x1;
	s14 =	sadd.s32 s2, s14;
	v4 =	vor.u32 s10, v0;
	s2 =	simm.s32 $0x1;
	v2 =	vand.u32 $0x7FF, v2;
	v5 =	vor.u32 s11, v0  }
0x11: {  	v3 =	vand.u32 $0x7FF, v3;
	v4 =	vand.u32 $0x7FF, v4;
	s15 =	sadd.s32 s0, s15;
	s16 =	sadd.s32 s0, s16;
	v5 =	vand.u32 $0x7FF, v5;
	s0 =	simm.s32 $0x1A80  }
.LBB2_1:
0x12: {  	[tilespmem:s18], [sflag:$0x3] =	stream.linear.gather [hbm4b:s6+s3], $0x800, $0x38;
	[tilespmem:$0x10B00] =	vst v63  }
0x13: {  	_ = 	snop  }
0x14: {  	[tilespmem:s3], [sflag:$0x4] =	stream.linear.gather [hbm4b:s4+s3], $0x800, $0x38;
	[tilespmem:$0x10B00] =	vst v63  }
0x15: {  	_ =	swait.ge [sflag:s19], $0x800  }
0x16: {  	[sflag:s19] =	ssyncset.done $0x0  }
0x17: {  	[sflag:s19] =	ssyncadd.s32 $0xFFFFF800  }
0x18: {  	[tilespmem:s5+$0x1000] =	vst v1  }
0x19: {  	[tilespmem:s8+$0x1000] =	vst v2  }
0x1a: {  	[tilespmem:s9+$0x1000] =	vst v3  }
0x1b: {  	[tilespmem:s10+$0x1000] =	vst v4  }
0x1c: {  	s24 =	simm.s32 $0x70;
	s26 =	simm.s32 $0x40;
	[tilespmem:s11+$0x1000] =	vst v5  }
.LBB2_2:
0x1d: {  	v9 =	vld [tilespmem:s26+$0xFFFFFFC0];
	_ =	sdelay $0x5  }
0x1e: {  	s28 =	sadd.s32 $0xFFFFFF90, s24  }
0x1f: {  	v10 =	vor.u32 s28, v0  }
0x20: {  	[tilespmem:v9+s20+$0x0] =	vst.idx.msk $0xffff, v10  }
0x21: {  	v9 =	vld [tilespmem:s26+$0xFFFFFFD0];
	_ =	sdelay $0x5  }
0x22: {  	s28 =	sadd.s32 $0xFFFFFFA0, s24  }
0x23: {  	v10 =	vor.u32 s28, v0  }
0x24: {  	[tilespmem:v9+s20+$0x0] =	vst.idx.msk $0xffff, v10  }
0x25: {  	v9 =	vld [tilespmem:s26+$0xFFFFFFE0];
	_ =	sdelay $0x5  }
0x26: {  	s28 =	sadd.s32 $0xFFFFFFB0, s24  }
0x27: {  	v10 =	vor.u32 s28, v0  }
0x28: {  	[tilespmem:v9+s20+$0x0] =	vst.idx.msk $0xffff, v10  }
0x29: {  	v9 =	vld [tilespmem:s26+$0xFFFFFFF0];
	_ =	sdelay $0x5  }
0x2a: {  	s28 =	sadd.s32 $0xFFFFFFC0, s24  }
0x2b: {  	v10 =	vor.u32 s28, v0  }
0x2c: {  	[tilespmem:v9+s20+$0x0] =	vst.idx.msk $0xffff, v10  }
0x2d: {  	v9 =	vld [tilespmem:s26+$0x0];
	_ =	sdelay $0x5  }
0x2e: {  	s28 =	sadd.s32 $0xFFFFFFD0, s24  }
0x2f: {  	v10 =	vor.u32 s28, v0  }
0x30: {  	[tilespmem:v9+s20+$0x0] =	vst.idx.msk $0xffff, v10  }
0x31: {  	v9 =	vld [tilespmem:s26+$0x10];
	_ =	sdelay $0x5  }
0x32: {  	s28 =	sadd.s32 $0xFFFFFFE0, s24  }
0x33: {  	v10 =	vor.u32 s28, v0  }
0x34: {  	[tilespmem:v9+s20+$0x0] =	vst.idx.msk $0xffff, v10  }
0x35: {  	v9 =	vld [tilespmem:s26+$0x20];
	_ =	sdelay $0x5  }
0x36: {  	s28 =	sadd.s32 $0xFFFFFFF0, s24  }
0x37: {  	v10 =	vor.u32 s28, v0  }
0x38: {  	[tilespmem:v9+s20+$0x0] =	vst.idx.msk $0xffff, v10  }
0x39: {  	v9 =	vld [tilespmem:s26+$0x30];
	_ =	sdelay $0x2  }
0x3a: {  	p0 =	sne.s32 s24, $0x7F0  }
.Ltmp0:
0x3b: {  	_ = 	snop;
	(pc) =	sbr.rel @p0 .LBB2_2-.Ltmp0, $3  }
0x3c: {  	_ =	sdelay $0x1  }
0x3d: {  	v10 =	vor.u32 s24, v0  }
0x3e: {  	s24 =	sadd.s32 $0x80, s24;
	s26 =	sadd.s32 $0x80, s26;
	[tilespmem:v9+s20+$0x0] =	vst.idx.msk $0xffff, v10  }
0x3f: {  	v9 =	vld [tilespmem:s5+$0x1000];
	_ =	sdelay $0x4  }
0x40: {  	v10 =	vshrl.u32 v9, $0x3  }
0x41: {  	v10 =	vmul.u32 $0x30, v10  }
0x42: {  	v9 =	vand.u32 $0x7, v9  }
0x43: {  	v9 =	vor.u32 v9, v10  }
0x44: {  	v10 =	vperm.xlane v9, v6;
	_ =	sdelay $0x1  }
0x45: {  	v10 =	vadd.s32 v7, v10;
	_ =	sdelay $0x3  }
0x46: {  	v9 =	vperm.xlane v9, v8  }
0x47: {  	[tilespmem:s21], [sflag:$0x1] =	stream.indirect_vreg.gather [hbm4b:s1+s3], $0x80, v10, vm0, $0xb8;
	[tilespmem:$0x10B00] =	vst v63  }
0x48: {  	s24 =	simm.s32 $0x2300;
	v9 =	vadd.s32 v7, v9  }
0x49: {  	[tilespmem:s24], [sflag:$0x1] =	stream.indirect_vreg.gather [hbm4b:s12+s3], $0x80, v10, vm0, $0xb8;
	[tilespmem:$0x10B00] =	vst v63  }
0x4a: {  	s28 =	simm.s32 $0x2B00  }
0x4b: {  	[tilespmem:s28], [sflag:$0x1] =	stream.indirect_vreg.gather [hbm4b:s13+s3], $0x80, v10, vm0, $0xb8;
	[tilespmem:$0x10B00] =	vst v63  }
0x4c: {  	s26 =	simm.s32 $0x3300  }
0x4d: {  	[tilespmem:s26], [sflag:$0x1] =	stream.indirect_vreg.gather [hbm4b:s1+s3], $0x80, v9, vm0, $0xb8;
	[tilespmem:$0x10B00] =	vst v63  }
0x4e: {  	s28 =	simm.s32 $0x3B00  }
0x4f: {  	[tilespmem:s28], [sflag:$0x1] =	stream.indirect_vreg.gather [hbm4b:s12+s3], $0x80, v9, vm0, $0xb8;
	[tilespmem:$0x10B00] =	vst v63  }
0x50: {  	s26 =	simm.s32 $0x4300  }
0x51: {  	[tilespmem:s26], [sflag:$0x1] =	stream.indirect_vreg.gather [hbm4b:s13+s3], $0x80, v9, vm0, $0xb8;
	[tilespmem:$0x10B00] =	vst v63  }
0x52: {  	v9 =	vld [tilespmem:s5+$0x1010];
	_ =	sdelay $0x4  }
0x53: {  	v10 =	vshrl.u32 v9, $0x3  }
0x54: {  	v10 =	vmul.u32 $0x30, v10  }
0x55: {  	v9 =	vand.u32 $0x7, v9  }
0x56: {  	v9 =	vor.u32 v9, v10  }
0x57: {  	v10 =	vperm.xlane v9, v6;
	_ =	sdelay $0x1  }
0x58: {  	v10 =	vadd.s32 v7, v10;
	_ =	sdelay $0x3  }
0x59: {  	s28 =	simm.s32 $0x4B00;
	v9 =	vperm.xlane v9, v8  }
0x5a: {  	[tilespmem:s28], [sflag:$0x1] =	stream.indirect_vreg.gather [hbm4b:s1+s3], $0x80, v10, vm0, $0xb8;
	[tilespmem:$0x10B00] =	vst v63  }
0x5b: {  	s26 =	simm.s32 $0x5300;
	v9 =	vadd.s32 v7, v9  }
0x5c: {  	[tilespmem:s26], [sflag:$0x1] =	stream.indirect_vreg.gather [hbm4b:s12+s3], $0x80, v10, vm0, $0xb8;
	[tilespmem:$0x10B00] =	vst v63  }
0x5d: {  	s28 =	simm.s32 $0x5B00  }
0x5e: {  	[tilespmem:s28], [sflag:$0x1] =	stream.indirect_vreg.gather [hbm4b:s13+s3], $0x80, v10, vm0, $0xb8;
	[tilespmem:$0x10B00] =	vst v63  }
0x5f: {  	s26 =	simm.s32 $0x6300  }
0x60: {  	[tilespmem:s26], [sflag:$0x1] =	stream.indirect_vreg.gather [hbm4b:s1+s3], $0x80, v9, vm0, $0xb8;
	[tilespmem:$0x10B00] =	vst v63  }
0x61: {  	s28 =	simm.s32 $0x6B00  }
0x62: {  	[tilespmem:s28], [sflag:$0x1] =	stream.indirect_vreg.gather [hbm4b:s12+s3], $0x80, v9, vm0, $0xb8;
	[tilespmem:$0x10B00] =	vst v63  }
0x63: {  	s26 =	simm.s32 $0x7300  }
0x64: {  	[tilespmem:s26], [sflag:$0x1] =	stream.indirect_vreg.gather [hbm4b:s13+s3], $0x80, v9, vm0, $0xb8;
	[tilespmem:$0x10B00] =	vst v63  }
0x65: {  	v9 =	vld.msk [tilespmem:s5+$0x1020], $0xff;
	_ =	sdelay $0x4  }
0x66: {  	v10 =	vshrl.u32 v9, $0x3  }
0x67: {  	v10 =	vmul.u32 $0x30, v10  }
0x68: {  	v9 =	vand.u32 $0x7, v9  }
0x69: {  	v9 =	vor.u32 v9, v10  }
0x6a: {  	v9 =	vperm.xlane v9, v6;
	_ =	sdelay $0x1  }
0x6b: {  	v9 =	vadd.s32 v7, v9;
	_ =	sdelay $0x3  }
0x6c: {  	s28 =	simm.s32 $0x7B00  }
0x6d: {  	[tilespmem:s28], [sflag:$0x1] =	stream.indirect_vreg.gather [hbm4b:s1+s3], $0x80, v9, vm0, $0xb8;
	[tilespmem:$0x10B00] =	vst v63  }
0x6e: {  	s26 =	simm.s32 $0x8300  }
0x6f: {  	[tilespmem:s26], [sflag:$0x1] =	stream.indirect_vreg.gather [hbm4b:s12+s3], $0x80, v9, vm0, $0xb8;
	[tilespmem:$0x10B00] =	vst v63  }
0x70: {  	s28 =	simm.s32 $0x8B00  }
0x71: {  	[tilespmem:s28], [sflag:$0x1] =	stream.indirect_vreg.gather [hbm4b:s13+s3], $0x80, v9, vm0, $0xb8;
	[tilespmem:$0x10B00] =	vst v63  }
0x72: {  	v9 =	vld [tilespmem:s7+$0x1000];
	_ =	sdelay $0x4  }
0x73: {  	v10 =	vshrl.u32 v9, $0x3  }
0x74: {  	v10 =	vmul.u32 $0x30, v10  }
0x75: {  	v9 =	vand.u32 $0x7, v9  }
0x76: {  	v9 =	vor.u32 v9, v10  }
0x77: {  	v10 =	vperm.xlane v9, v6;
	_ =	sdelay $0x1  }
0x78: {  	v10 =	vadd.s32 v7, v10;
	_ =	sdelay $0x3  }
0x79: {  	v9 =	vperm.xlane v9, v8  }
0x7a: {  	[tilespmem:s25], [sflag:$0x2] =	stream.indirect_vreg.gather [hbm4b:s1+s3], $0x80, v10, vm0, $0xb8;
	[tilespmem:$0x10B00] =	vst v63  }
0x7b: {  	s26 =	simm.s32 $0x9B00;
	v9 =	vadd.s32 v7, v9  }
0x7c: {  	[tilespmem:s26], [sflag:$0x2] =	stream.indirect_vreg.gather [hbm4b:s12+s3], $0x80, v10, vm0, $0xb8;
	[tilespmem:$0x10B00] =	vst v63  }
0x7d: {  	s28 =	simm.s32 $0xA300  }
0x7e: {  	[tilespmem:s28], [sflag:$0x2] =	stream.indirect_vreg.gather [hbm4b:s13+s3], $0x80, v10, vm0, $0xb8;
	[tilespmem:$0x10B00] =	vst v63  }
0x7f: {  	s26 =	simm.s32 $0xAB00  }
0x80: {  	[tilespmem:s26], [sflag:$0x2] =	stream.indirect_vreg.gather [hbm4b:s1+s3], $0x80, v9, vm0, $0xb8;
	[tilespmem:$0x10B00] =	vst v63  }
0x81: {  	s28 =	simm.s32 $0xB300  }
0x82: {  	[tilespmem:s28], [sflag:$0x2] =	stream.indirect_vreg.gather [hbm4b:s12+s3], $0x80, v9, vm0, $0xb8;
	[tilespmem:$0x10B00] =	vst v63  }
0x83: {  	s26 =	simm.s32 $0xBB00  }
0x84: {  	[tilespmem:s26], [sflag:$0x2] =	stream.indirect_vreg.gather [hbm4b:s13+s3], $0x80, v9, vm0, $0xb8;
	[tilespmem:$0x10B00] =	vst v63  }
0x85: {  	v9 =	vld [tilespmem:s7+$0x1010];
	_ =	sdelay $0x4  }
0x86: {  	v10 =	vshrl.u32 v9, $0x3  }
0x87: {  	v10 =	vmul.u32 $0x30, v10  }
0x88: {  	v9 =	vand.u32 $0x7, v9  }
0x89: {  	v9 =	vor.u32 v9, v10  }
0x8a: {  	v10 =	vperm.xlane v9, v6;
	_ =	sdelay $0x1  }
0x8b: {  	v10 =	vadd.s32 v7, v10;
	_ =	sdelay $0x3  }
0x8c: {  	s28 =	simm.s32 $0xC300;
	v9 =	vperm.xlane v9, v8  }
0x8d: {  	[tilespmem:s28], [sflag:$0x2] =	stream.indirect_vreg.gather [hbm4b:s1+s3], $0x80, v10, vm0, $0xb8;
	[tilespmem:$0x10B00] =	vst v63  }
0x8e: {  	s26 =	simm.s32 $0xCB00;
	v9 =	vadd.s32 v7, v9  }
0x8f: {  	[tilespmem:s26], [sflag:$0x2] =	stream.indirect_vreg.gather [hbm4b:s12+s3], $0x80, v10, vm0, $0xb8;
	[tilespmem:$0x10B00] =	vst v63  }
0x90: {  	s28 =	simm.s32 $0xD300  }
0x91: {  	[tilespmem:s28], [sflag:$0x2] =	stream.indirect_vreg.gather [hbm4b:s13+s3], $0x80, v10, vm0, $0xb8;
	[tilespmem:$0x10B00] =	vst v63  }
0x92: {  	s26 =	simm.s32 $0xDB00  }
0x93: {  	[tilespmem:s26], [sflag:$0x2] =	stream.indirect_vreg.gather [hbm4b:s1+s3], $0x80, v9, vm0, $0xb8;
	[tilespmem:$0x10B00] =	vst v63  }
0x94: {  	s28 =	simm.s32 $0xE300  }
0x95: {  	[tilespmem:s28], [sflag:$0x2] =	stream.indirect_vreg.gather [hbm4b:s12+s3], $0x80, v9, vm0, $0xb8;
	[tilespmem:$0x10B00] =	vst v63  }
0x96: {  	s26 =	simm.s32 $0xEB00  }
0x97: {  	[tilespmem:s26], [sflag:$0x2] =	stream.indirect_vreg.gather [hbm4b:s13+s3], $0x80, v9, vm0, $0xb8;
	[tilespmem:$0x10B00] =	vst v63  }
0x98: {  	v9 =	vld.msk [tilespmem:s5+$0x1048], $0xff;
	_ =	sdelay $0x4  }
0x99: {  	v10 =	vshrl.u32 v9, $0x3  }
0x9a: {  	v10 =	vmul.u32 $0x30, v10  }
0x9b: {  	v9 =	vand.u32 $0x7, v9  }
0x9c: {  	v9 =	vor.u32 v9, v10  }
0x9d: {  	v9 =	vperm.xlane v9, v6;
	_ =	sdelay $0x1  }
0x9e: {  	v9 =	vadd.s32 v7, v9;
	_ =	sdelay $0x3  }
0x9f: {  	s28 =	simm.s32 $0xF300  }
0xa0: {  	[tilespmem:s28], [sflag:$0x2] =	stream.indirect_vreg.gather [hbm4b:s1+s3], $0x80, v9, vm0, $0xb8;
	[tilespmem:$0x10B00] =	vst v63  }
0xa1: {  	_ = 	snop  }
0xa2: {  	[tilespmem:s29], [sflag:$0x2] =	stream.indirect_vreg.gather [hbm4b:s12+s3], $0x80, v9, vm0, $0xb8;
	[tilespmem:$0x10B00] =	vst v63  }
0xa3: {  	_ = 	snop  }
0xa4: {  	[tilespmem:s30], [sflag:$0x2] =	stream.indirect_vreg.gather [hbm4b:s13+s3], $0x80, v9, vm0, $0xb8;
	[tilespmem:$0x10B00] =	vst v63  }
0xa5: {  	_ =	swait.ge [sflag:s31], $0x800  }
0xa6: {  	[sflag:s31] =	ssyncset.done $0x0  }
0xa7: {  	[sflag:s31] =	ssyncadd.s32 $0xFFFFF800  }
0xa8: {  	v9 =	vld [tilespmem:s5+$0x1000];
	_ =	sdelay $0x7  }
0xa9: {  	v9 =	vld.idx.msk [tilespmem:v9+s18+$0x0], $0xffff;
	_ =	sdelay $0x4  }
0xaa: {  	[tilespmem:$0x1A80] =	vst v9  }
0xab: {  	v9 =	vld [tilespmem:s8+$0x1000];
	_ =	sdelay $0x7  }
0xac: {  	v9 =	vld.idx.msk [tilespmem:v9+s18+$0x0], $0xffff;
	_ =	sdelay $0x4  }
0xad: {  	[tilespmem:$0x1A90] =	vst v9  }
0xae: {  	v9 =	vld [tilespmem:s9+$0x1000];
	_ =	sdelay $0x7  }
0xaf: {  	v9 =	vld.idx.msk [tilespmem:v9+s18+$0x0], $0xffff;
	_ =	sdelay $0x4  }
0xb0: {  	[tilespmem:$0x1AA0] =	vst v9  }
0xb1: {  	v9 =	vld [tilespmem:s10+$0x1000];
	_ =	sdelay $0x7  }
0xb2: {  	v9 =	vld.idx.msk [tilespmem:v9+s18+$0x0], $0xffff;
	_ =	sdelay $0x4  }
0xb3: {  	[tilespmem:$0x1AB0] =	vst v9  }
0xb4: {  	v9 =	vld [tilespmem:s11+$0x1000];
	_ =	sdelay $0x7  }
0xb5: {  	v9 =	vld.idx.msk [tilespmem:v9+s18+$0x0], $0xffff;
	_ =	sdelay $0x4  }
0xb6: {  	[tilespmem:$0x1AC0] =	vst v9  }
0xb7: {  	[hbm4b:s14+s3] =	stream.linear.scatter [tilespmem:s0], [sflag:$0x4], $0x50, $0x38;
	[tilespmem:$0x10B00] =	vst v63  }
0xb8: {  	_ =	swait.ge [sflag:s19], $0x50  }
0xb9: {  	[sflag:s19] =	ssyncset.done $0x0  }
0xba: {  	[sflag:s19] =	ssyncadd.s32 $0xFFFFFFB0  }
0xbb: {  	_ =	swait.ge [sflag:s2], $0x7800  }
0xbc: {  	[sflag:s2] =	ssyncset.done $0x0  }
0xbd: {  	[sflag:s2] =	ssyncadd.s32 $0xFFFF8800  }
0xbe: {  	[hbm4b:s15+s3] =	stream.linear.scatter [tilespmem:s21], [sflag:$0x1], $0x7800, $0x38;
	[tilespmem:$0x10B00] =	vst v63  }
0xbf: {  	_ =	swait.ge [sflag:s22], $0x7800  }
0xc0: {  	[sflag:s22] =	ssyncset.done $0x0  }
0xc1: {  	s23 =	sadd.s32 $0x1, s23;
	[sflag:s22] =	ssyncadd.s32 $0xFFFF8800  }
0xc2: {  	[hbm4b:s16+s3] =	stream.linear.scatter [tilespmem:s25], [sflag:$0x2], $0x7800, $0x38;
	[tilespmem:$0x10B00] =	vst v63  }
0xc3: {  	p0 =	sne.s32 s23, s17;
	_ =	swait.ge [sflag:s2], $0x7800  }
.Ltmp1:
0xc4: {  	[sflag:s2] =	ssyncset.done $0x0;
	(pc) =	sbr.rel @p0 .LBB2_1-.Ltmp1, $4  }
0xc5: {  	[sflag:s2] =	ssyncadd.s32 $0xFFFF8800  }
0xc6: {  	_ =	swait.ge [sflag:s22], $0x7800  }
0xc7: {  	[sflag:s22] =	ssyncset.done $0x0  }
0xc8: {  	[sflag:s22] =	ssyncadd.s32 $0xFFFF8800  }
0xc9: {  	_ =	sfence.sel $0x180000  }
0xca: {  	[bflag:$0x0] =	sbarrier.arrive $0xFFFF  }
0xcb: {  	_ =	strace $0x90000047  }
0xcc: {  	s0 =	stileid.u32;
	[bflag:$0x2] =	sbarrier.arrive $0xFFFF  }
0xcd: {  	p0 =	sne.s32 s0, $0x0;
	s0 =	rddreg [dreg:$0x3]  }
0xce: {  	s0 =	sadd.s32 @!p0 $0x100000, s0  }
0xcf: {  	[sflag:s0] =	ssyncadd.tile.s32 @!p0 $0x1;
	_ =	shalt  }
.Lfunc_end2:
_tile_overlayer_lowered:
.L_overlay_start_2:
0xd0: {  	(tag) =	ssettag $0x2  }
0xd1: {  	s0 =	rddreg [dreg:$0x0];
	s2 =	stileid.u32  }
0xd2: {  	s1 =	rddreg [dreg:$0x1];
	p0 =	sne.s32 s2, $0x0  }
0xd3: {  	s3 =	rddreg [dreg:$0x2];
	[bflag:$0x3] =	sbarrier.arrive $0xFFFF;
	s2 =	simm.s32 @!p0 $0x1C04  }
0xd4: {  	[timem:s3], [sflag:s2] =	dma.local @!p0 [hbm:s0], s1  }
0xd5: {  	s0 =	simm.s32 @!p0 $0x4  }
0xd6: {  	_ =	swait.ge @!p0 [sflag:s0], s1  }
0xd7: {  	s1 =	ssub.s32 @!p0 $0x0, s1;
	[sflag:s0] =	ssyncset.done @!p0 $0x0  }
0xd8: {  	[sflag:s0] =	ssyncadd.s32 @!p0 s1  }
0xd9: {  	[bflag:$0x3] =	sbarrier.arrive $0xFFFF  }
0xda: {  	_ =	shalt  }

// kernel: kernel.9.cloned.1.call-start
scs
__scs_entry_jumppad:
0x0: {  	(pc) =	sbr.rel $0x88, $3  }
0x1: {  	(tag) =	ssettag $0x0;
	lr =	simm.s32 $0x1  }
0x2: {  	[smem:$0x3F9B] =	sst lr;
	_ =	strace $0xD0000000  }
0x3: {  	_ = 	snop  }
0x4: {  	_ = 	snop  }
0x5: {  	_ = 	snop  }
0x6: {  	_ = 	snop  }
0x7: {  	_ = 	snop  }
__scs_overlays_trampoline_lowered:
0x8: {  	[smem:$0x3FAA] =	sst s0  }
0x9: {  	[smem:$0x3FAB] =	sst s1  }
0xa: {  	[smem:$0x3FAC] =	sst s2  }
0xb: {  	[smem:$0x3FAD] =	sst s3  }
0xc: {  	[smem:$0x3FAE] =	sst s4  }
0xd: {  	[smem:$0x3FAF] =	sst s5  }
0xe: {  	[smem:$0x3FB0] =	sst s6  }
0xf: {  	[smem:$0x3FB1] =	sst s7  }
0x10: {  	[smem:$0x3FB2] =	sst s8  }
0x11: {  	[smem:$0x3FB3] =	sst s9;
	s0 =	simm.s32 @!p0 $0x0  }
0x12: {  	s1 =	sld [smem:$0x3F99];
	s0 =	simm.s32 @p0 $0x1  }
0x13: {  	[smem:$0x3FB4] =	sst s0;
	s0 =	simm.s32 @!p1 $0x0  }
0x14: {  	s2 =	sld [smem:$0x3F98];
	s0 =	simm.s32 @p1 $0x1  }
0x15: {  	[smem:$0x3FB5] =	sst s0;
	s0 =	simm.s32 @!p2 $0x0  }
0x16: {  	s3 =	sld [smem:$0x3FDB];
	s0 =	simm.s32 @p2 $0x1  }
0x17: {  	s4 =	simm.s32 $0x1BF5;
	[smem:$0x3FB7] =	sst s0  }
0x18: {  	s0 =	sld [smem:$0x3F9A];
	_ =	swait.ge [sflag:s4], $0x0  }
0x19: {  	s7 =	sld [smem:$0x3F9B]  }
0x1a: {  	s8 =	sadd.s32 $0xFFFFE003, lr  }
0x1b: {  	s9 =	sadd.s32 $0xFFFFFEF7, lr;
	s5 =	simm.s32 $0xFFFFFFFF;
	p2 =	slt.u32 s8, $0xFFFFF086  }
0x1c: {  	p1 =	slt.u32 s9, $0xF7A;
	s5 =	simm.s32 @!p2 $0x0  }
0x1d: {  	s5 =	simm.s32 @p1 $0x1;
	p0 =	seq.s32 s7, s2  }
0x1e: {  	s7 =	smul.u32 @!p0 $0xF7A, s2;
	p2 =	seq.s32 @!p0 s5, $0x0  }
0x1f: {  	s9 =	smul.u32 $0xF7A, s1;
	s8 =	simm.s32 @!p0 $0x1BF5;
	p2 =	por !p2, p0  }
0x20: {  	[sflag:s8] =	ssyncset.s32 @!p0 $0xFFFFF086;
	s6 =	sadd.s32 @!p0 s3, s7;
	s7 =	simm.s32 @!p0 $0x108  }
0x21: {  	s3 =	sadd.s32 s3, s9;
	s6 =	sadd.s32 @!p0 $0x88, s6;
	s7 =	simm.s32 @p2 $0x1082  }
0x22: {  	[simem:s7], [sflag:s8] =	dma.local @!p0 [hbm:s6], $0xF7A  }
0x23: {  	s9 =	sor.u32 $0xD0000000, s2;
	s6 =	simm.s32 $0x108;
	_ =	swait.ge @!p0 [sflag:s8], $0x0  }
0x24: {  	s3 =	sadd.s32 $0x88, s3;
	s6 =	simm.s32 @!p1 $0x1082;
	[sflag:s4] =	ssyncset.s32 $0xFFFFF086  }
0x25: {  	[simem:s6], [sflag:s4] =	dma.local [hbm:s3], $0xF7A  }
0x26: {  	[smem:$0x3F9B] =	sst s1;
	(tag) =	ssettag s2;
	_ =	strace s9  }
0x27: {  	s1 =	sld [smem:$0x3FAB]  }
0x28: {  	s2 =	sld [smem:$0x3FAC]  }
0x29: {  	s4 =	sld [smem:$0x3FAE]  }
0x2a: {  	p0 =	seq.s32 s5, $0x0;
	s5 =	sld [smem:$0x3FAF]  }
0x2b: {  	s6 =	sld [smem:$0x3FB0]  }
0x2c: {  	s7 =	sld [smem:$0x3FB1]  }
0x2d: {  	s3 =	simm.s32 $0x108;
	s8 =	sld [smem:$0x3FB2]  }
0x2e: {  	s3 =	simm.s32 @!p0 $0x1082;
	s9 =	sld [smem:$0x3FB3]  }
0x2f: {  	lr =	sadd.s32 s0, s3;
	s0 =	sld [smem:$0x3FAA]  }
0x30: {  	s3 =	sld [smem:$0x3FAD]  }
0x31: {  	[smem:$0x3FB6] =	sst s10  }
0x32: {  	s10 =	sld [smem:$0x3FB4];
	_ =	sdelay $0x3  }
0x33: {  	p0 =	seq.s32 s10, $0x1;
	s10 =	sld [smem:$0x3FB6];
	_ =	sdelay $0x3  }
0x34: {  	[smem:$0x3FB6] =	sst s10  }
0x35: {  	s10 =	sld [smem:$0x3FB5];
	_ =	sdelay $0x3  }
0x36: {  	p1 =	seq.s32 s10, $0x1;
	s10 =	sld [smem:$0x3FB6];
	_ =	sdelay $0x3  }
0x37: {  	[smem:$0x3FB6] =	sst s10  }
0x38: {  	s10 =	sld [smem:$0x3FB7]  }
0x39: {  	_ = 	snop;
	(pc) =	sbr.ind lr, $3  }
0x3a: {  	_ = 	snop  }
0x3b: {  	_ = 	snop  }
0x3c: {  	p2 =	seq.s32 s10, $0x1;
	s10 =	sld [smem:$0x3FB6]  }
0x3d: {  	_ =	shalt  }
0x3e: {  	_ =	shalt  }
0x3f: {  	_ =	shalt  }
0x40: {  	_ =	shalt  }
0x41: {  	_ =	shalt  }
0x42: {  	_ =	shalt  }
0x43: {  	_ =	shalt  }
0x44: {  	_ =	shalt  }
0x45: {  	_ =	shalt  }
0x46: {  	_ =	shalt  }
0x47: {  	_ =	shalt  }
0x48: {  	_ =	shalt  }
0x49: {  	_ =	shalt  }
0x4a: {  	_ =	shalt  }
0x4b: {  	_ =	shalt  }
0x4c: {  	_ =	shalt  }
0x4d: {  	_ =	shalt  }
0x4e: {  	_ =	shalt  }
0x4f: {  	_ =	shalt  }
0x50: {  	_ =	shalt  }
0x51: {  	_ =	shalt  }
0x52: {  	_ =	shalt  }
0x53: {  	_ =	shalt  }
0x54: {  	_ =	shalt  }
0x55: {  	_ =	shalt  }
0x56: {  	_ =	shalt  }
0x57: {  	_ =	shalt  }
0x58: {  	_ =	shalt  }
0x59: {  	_ =	shalt  }
0x5a: {  	_ =	shalt  }
0x5b: {  	_ =	shalt  }
0x5c: {  	_ =	shalt  }
0x5d: {  	_ =	shalt  }
0x5e: {  	_ =	shalt  }
0x5f: {  	_ =	shalt  }
0x60: {  	_ =	shalt  }
0x61: {  	_ =	shalt  }
0x62: {  	_ =	shalt  }
0x63: {  	_ =	shalt  }
0x64: {  	_ =	shalt  }
0x65: {  	_ =	shalt  }
0x66: {  	_ =	shalt  }
0x67: {  	_ =	shalt  }
0x68: {  	_ =	shalt  }
0x69: {  	_ =	shalt  }
0x6a: {  	_ =	shalt  }
0x6b: {  	_ =	shalt  }
0x6c: {  	_ =	shalt  }
0x6d: {  	_ =	shalt  }
0x6e: {  	_ =	shalt  }
0x6f: {  	_ =	shalt  }
0x70: {  	_ =	shalt  }
0x71: {  	_ =	shalt  }
0x72: {  	_ =	shalt  }
0x73: {  	_ =	shalt  }
0x74: {  	_ =	shalt  }
0x75: {  	_ =	shalt  }
0x76: {  	_ =	shalt  }
0x77: {  	_ =	shalt  }
0x78: {  	_ =	shalt  }
0x79: {  	_ =	shalt  }
0x7a: {  	_ =	shalt  }
0x7b: {  	_ =	shalt  }
0x7c: {  	_ =	shalt  }
0x7d: {  	_ =	shalt  }
0x7e: {  	_ =	shalt  }
0x7f: {  	_ =	shalt  }
0x80: {  	_ =	shalt  }
0x81: {  	_ =	shalt  }
0x82: {  	_ =	shalt  }
0x83: {  	_ =	shalt  }
0x84: {  	_ =	shalt  }
0x85: {  	_ =	shalt  }
0x86: {  	_ =	shalt  }
0x87: {  	_ =	shalt  }
.Lfunc_end0:
.L_simem_size_0:
called_computation.1_lowered:
.L_overlay_start_0:
0x88: {  	s2 =	sld [smem:$0x3FD9]  }
0x89: {  	s3 =	sld [smem:$0x3FFE];
	_ =	sdelay $0x1  }
0x8a: {  	s1 =	srdreg.scid  }
0x8b: {  	s0 =	sand.u32 $0x1, s1  }
0x8c: {  	s14 =	sshll.u32 s0, $0xA;
	s2 =	sadd.s32 s3, s2  }
0x8d: {  	s2 =	sadd.s32 s2, s14  }
0x8e: {  	[smem:$0x3FC2] =	sst s2  }
0x8f: {  	_ = 	snop  }
0x90: {  	s2 =	sld [smem:$0x3FD0];
	_ =	sdelay $0x2  }
0x91: {  	s15 =	simm.s32 $0xA;
	s4 =	simm.s32 $0x10  }
0x92: {  	[smem:s4], [sflag:s15] =	dma.local [hbm:s2], $0x1  }
0x93: {  	_ =	swait.eq [sflag:s15], $0x1  }
0x94: {  	[sflag:s15] =	ssyncset.done $0x0  }
0x95: {  	[sflag:s15] =	ssyncadd.s32 $0xFFFFFFFF  }
0x96: {  	s16 =	sld [smem:$0x10];
	(tm) =	ssettm $0x1  }
0x97: {  	s17 =	sld [smem:$0x3FFB];
	_ =	sdelay $0x3  }
0x98: {  	_ =	strace s17  }
0x99: {  	s3 =	sld [smem:$0x3FFC];
	_ =	sdelay $0x3  }
0x9a: {  	_ =	strace s3  }
0x9b: {  	s3 =	sld [smem:$0x3FFD];
	_ =	sdelay $0x3  }
0x9c: {  	_ =	strace s3  }
0x9d: {  	_ =	strace $0x8FFFFFFF  }
0x9e: {  	s18 =	sld [smem:$0x3FDB];
	_ =	sdelay $0x1  }
0x9f: {  	s19 =	simm.s32 $_scs_section_size  }
0xa0: {  	s5 =	simm.s32 $_size__tile_overlayer_lowered;
	s6 =	simm.s32 $_tile_overlayer_lowered  }
0xa1: {  	s22 =	simm.s32 $0x1BFF;
	s21 =	sshll.u32 s6, $0x1;
	s3 =	sadd.s32 s19, s18  }
0xa2: {  	s7 =	simm.s32 $0x0;
	s20 =	sshll.u32 s5, $0x1;
	s5 =	sadd.s32 s21, s3  }
0xa3: {  	[timem:s7], [sflag:s22] =	dma.local [hbm:s5], s20  }
0xa4: {  	_ =	swait.ge [sflag:s22], s20  }
0xa5: {  	s4 =	ssub.s32 $0x0, s20;
	[sflag:s22] =	ssyncset.done $0x0  }
0xa6: {  	[sflag:s22] =	ssyncadd.s32 s4;
	_ =	sdelay $0x1  }
0xa7: {  	s23 =	simm.s32 $0x1B8B  }
0xa8: {  	_ =	swait.ge [sflag:s23], $0x1  }
0xa9: {  	[sflag:s23] =	ssyncset.done $0x0  }
0xaa: {  	s25 =	simm.s32 $0x1B8E;
	s24 =	sld [smem:$0x3FFE];
	[sflag:s23] =	ssyncadd.s32 $0xFFFFFFFF  }
0xab: {  	s26 =	simm.s32 $execute0_lowered;
	[smem:$0x3FD2] =	sst s25  }
0xac: {  	s5 =	sshll.u32 s26, $0x1;
	_ =	strace $0x80000049;
	[dreg:$0x1] =	wrdreg $0xFFFFFFFF  }
0xad: {  	s28 =	simm.s32 $_size_execute0_lowered;
	s3 =	sadd.s32 s3, s5;
	[dreg:$0x0] =	wrdreg $0x0  }
0xae: {  	s5 =	sshll.u32 s28, $0x1;
	[dreg:$0x2] =	wrdreg s3  }
0xaf: {  	[dreg:$0x3] =	wrdreg s5  }
0xb0: {  	[dreg:$0x4] =	wrdreg $0xC0  }
0xb1: {  	_ =	task [dreg:s7], $0x5FFFF  }
0xb2: {  	[dreg:$0x1] =	wrdreg $0xFFFFFFFF  }
0xb3: {  	[dreg:$0x0] =	wrdreg $0x60  }
0xb4: {  	[dreg:$0x2] =	wrdreg s24  }
0xb5: {  	[dreg:$0x3] =	wrdreg s16  }
0xb6: {  	[dreg:$0x4] =	wrdreg $0x9  }
0xb7: {  	_ =	task.clear_ibuf [dreg:s7], $0x5FFFF;
	_ =	strace $0x90000049  }
0xb8: {  	s29 =	simm.s32 $0x9;
	_ =	strace $0x8000004B  }
0xb9: {  	_ =	swait.ge [sflag:s29], $0x1  }
0xba: {  	[sflag:s29] =	ssyncadd.s32 $0xFFFFFFFF  }
0xbb: {  	_ =	strace $0x9000004B  }
0xbc: {  	_ =	sfence  }
0xbd: {  	s30 =	sld [smem:$0x0];
	_ =	sdelay $0x2  }
0xbe: {  	s31 =	sshll.u32 s1, $0xD;
	s1 =	sshrl.u32 s1, $0x2  }
0xbf: {  	s3 =	sand.u32 $0x4000, s31;
	s1 =	sadd.s32 s1, s30  }
0xc0: {  	s0 =	sor.u32 s3, s0;
	s1 =	sshll.u32 s1, $0x11  }
0xc1: {  	s0 =	sor.u32 s1, s0  }
0xc2: {  	s0 =	sadd.s32 $0x8F2B, s0  }
0xc3: {  	[sflag:s0] =	ssyncadd.remote.s32 $0x1  }
0xc4: {  	_ =	sfence.sel $0xFFFF  }
0xc5: {  	[dreg:$0x0] =	wrdreg $0xFFFFFFFF;
	(pc) =	sbr.abs _section_cstart, $3  }
0xc6: {  	[dreg:$0x1] =	wrdreg $0xFFFFFFFF  }
0xc7: {  	_ =	task.clear_ibuf [dreg:s7], $0x2FFFF;
	_ =	strace $0x9FFFFFFF  }
0xc8: {  	(tm) =	ssettm $0x7FFFFFFF  }
0xc9: {  	_ =	shalt  }
tec
execute0_lowered:
.L_overlay_start_1:
0x0: {  	(tag) =	ssettag $0x1  }
0x1: {  	s1 =	srdreg.scid;
	s6 =	rddreg [dreg:$0x0]  }
0x2: {  	s0 =	stileid.u32;
	s5 =	rddreg [dreg:$0x1];
	s22 =	simm.s32 $0x880  }
0x3: {  	s23 =	simm.s32 $0x1080;
	s24 =	simm.s32 $0x1880;
	s25 =	simm.s32 $0x2080  }
0x4: {  	s26 =	simm.s32 $0x2880;
	s10 =	simm.s32 $0x3080;
	s12 =	simm.s32 $0x4080  }
0x5: {  	s13 =	simm.s32 $0x4880;
	s14 =	simm.s32 $0x5080;
	s15 =	simm.s32 $0x5880  }
0x6: {  	s16 =	simm.s32 $0x6080;
	s17 =	simm.s32 $0x6880;
	s18 =	simm.s32 $0x7080  }
0x7: {  	s28 =	simm.s32 $0xB880;
	s29 =	simm.s32 $0x1;
	s1 =	sand.u32 $0x1, s1  }
0x8: {  	s30 =	simm.s32 $0x2;
	s2 =	sshll.u32 s0, $0x4;
	s3 =	sshll.u32 s1, $0x3  }
0x9: {  	s31 =	simm.s32 $0x3;
	s4 =	sor.u32 s3, s2;
	s2 =	simm.s32 $0x0  }
0xa: {  	s1 =	ssub.s32 $0x2, s1;
	s3 =	sadd.s32 $0x2200, s6;
	[smem:$0x7FF] =	sst s2  }
0xb: {  	s7 =	smul.u32 $0x300, s4;
	_ =	strace $0x8000004A;
	[dreg:$0x7] =	wrdreg s22  }
0xc: {  	s21 =	sshrl.u32 s1, $0x1;
	s8 =	smul.u32 $0x1800, s4;
	[dreg:$0x8] =	wrdreg s23  }
0xd: {  	s4 =	sadd.s32 s4, s6;
	s1 =	ssub.s32 s1, s21;
	[dreg:$0x9] =	wrdreg s24  }
0xe: {  	s21 =	simm.s32 $0x8880;
	s9 =	sadd.s32 $0x2000, s4;
	[dreg:$0xa] =	wrdreg s25  }
0xf: {  	[dreg:$0xb] =	wrdreg s26;
	s22 =	simm.s32 $0x9080;
	s23 =	simm.s32 $0x9880  }
0x10: {  	s24 =	simm.s32 $0xA080;
	s25 =	simm.s32 $0xA880;
	s26 =	simm.s32 $0xB080  }
0x11: {  	s4 =	sadd.s32 s5, s7;
	s19 =	sshrl.u32 s8, $0x3;
	[dreg:$0x3] =	wrdreg s9  }
0x12: {  	s8 =	simm.s32 $0x5;
	s20 =	sadd.s32 $0x600, s4;
	s5 =	sadd.s32 s5, s19  }
0x13: {  	s9 =	simm.s32 $0x80;
	[dreg:$0x4] =	wrdreg s20;
	s7 =	sadd.s32 $0xC00, s5  }
0x14: {  	v2 =	vlaneseq.u32;
	s19 =	simm.s32 $0x7880;
	s5 =	sadd.s32 $0x1200, s5;
	[dreg:$0x5] =	wrdreg s7  }
0x15: {  	vm0 =	vmmov $0xffff;
	v1 =	vshrl.u32 v2, $0x3;
	s20 =	simm.s32 $0x8080;
	[dreg:$0x6] =	wrdreg s5;
	s5 =	sadd.s32 $0x2300, s6  }
0x16: {  	v0 =	vand.u32 $0x7, v2;
	v2 =	vor.u32 $0x8, v2;
	v1 =	vmul.u32 $0x8, v1;
	s6 =	sadd.s32 $0x2400, s6;
	s7 =	smax.u32 s1, $0x1;
	s1 =	simm.s32 $0x4  }
.LBB2_1:
0x17: {  	s0 =	rddreg [dreg:$0x3]  }
0x18: {  	[tilespmem:s2], [sflag:$0x5] =	stream.linear.gather [hbm4b:s0+s2], $0x40, $0x38;
	[tilespmem:$0xC080] =	vst v63  }
0x19: {  	_ =	swait.ge [sflag:s8], $0x40  }
0x1a: {  	[sflag:s8] =	ssyncset.done $0x0  }
0x1b: {  	[sflag:s8] =	ssyncadd.s32 $0xFFFFFFC0  }
0x1c: {  	v3 =	vld [tilespmem:$0x0];
	_ =	sdelay $0x4  }
0x1d: {  	v4 =	vshrl.u32 v3, $0x3  }
0x1e: {  	v4 =	vmul.u32 $0x30, v4  }
0x1f: {  	v3 =	vand.u32 $0x7, v3  }
0x20: {  	v3 =	vor.u32 v3, v4  }
0x21: {  	v4 =	vperm.xlane v3, v0;
	_ =	sdelay $0x1  }
0x22: {  	v4 =	vadd.s32 v1, v4;
	_ =	sdelay $0x3  }
0x23: {  	v3 =	vperm.xlane v3, v2  }
0x24: {  	[tilespmem:s9], [sflag:$0x1] =	stream.indirect_vreg.gather [hbm4b:s3+s2], $0x80, v4, vm0, $0xb8;
	[tilespmem:$0xC080] =	vst v63  }
0x25: {  	s0 =	rddreg [dreg:$0x7];
	v3 =	vadd.s32 v1, v3  }
0x26: {  	[tilespmem:s0], [sflag:$0x1] =	stream.indirect_vreg.gather [hbm4b:s5+s2], $0x80, v4, vm0, $0xb8;
	[tilespmem:$0xC080] =	vst v63  }
0x27: {  	s11 =	rddreg [dreg:$0x8]  }
0x28: {  	[tilespmem:s11], [sflag:$0x1] =	stream.indirect_vreg.gather [hbm4b:s6+s2], $0x80, v4, vm0, $0xb8;
	[tilespmem:$0xC080] =	vst v63  }
0x29: {  	s0 =	rddreg [dreg:$0x9]  }
0x2a: {  	[tilespmem:s0], [sflag:$0x1] =	stream.indirect_vreg.gather [hbm4b:s3+s2], $0x80, v3, vm0, $0xb8;
	[tilespmem:$0xC080] =	vst v63  }
0x2b: {  	s11 =	rddreg [dreg:$0xa]  }
0x2c: {  	[tilespmem:s11], [sflag:$0x1] =	stream.indirect_vreg.gather [hbm4b:s5+s2], $0x80, v3, vm0, $0xb8;
	[tilespmem:$0xC080] =	vst v63  }
0x2d: {  	s0 =	rddreg [dreg:$0xb]  }
0x2e: {  	[tilespmem:s0], [sflag:$0x1] =	stream.indirect_vreg.gather [hbm4b:s6+s2], $0x80, v3, vm0, $0xb8;
	[tilespmem:$0xC080] =	vst v63  }
0x2f: {  	v3 =	vld [tilespmem:$0x10];
	_ =	sdelay $0x4  }
0x30: {  	v61 =	vshrl.u32 v3, $0x3  }
0x31: {  	v4 =	vmul.u32 $0x30, v61  }
0x32: {  	v3 =	vand.u32 $0x7, v3  }
0x33: {  	v3 =	vor.u32 v3, v4  }
0x34: {  	v4 =	vperm.xlane v3, v0;
	_ =	sdelay $0x1  }
0x35: {  	v4 =	vadd.s32 v1, v4;
	_ =	sdelay $0x3  }
0x36: {  	v3 =	vperm.xlane v3, v2  }
0x37: {  	[tilespmem:s10], [sflag:$0x2] =	stream.indirect_vreg.gather [hbm4b:s3+s2], $0x80, v4, vm0, $0xb8;
	[tilespmem:$0xC080] =	vst v63  }
0x38: {  	s11 =	simm.s32 $0x3880;
	v3 =	vadd.s32 v1, v3  }
0x39: {  	[tilespmem:s11], [sflag:$0x2] =	stream.indirect_vreg.gather [hbm4b:s5+s2], $0x80, v4, vm0, $0xb8;
	[tilespmem:$0xC080] =	vst v63  }
0x3a: {  	_ = 	snop  }
0x3b: {  	[tilespmem:s12], [sflag:$0x2] =	stream.indirect_vreg.gather [hbm4b:s6+s2], $0x80, v4, vm0, $0xb8;
	[tilespmem:$0xC080] =	vst v63  }
0x3c: {  	_ = 	snop  }
0x3d: {  	[tilespmem:s13], [sflag:$0x2] =	stream.indirect_vreg.gather [hbm4b:s3+s2], $0x80, v3, vm0, $0xb8;
	[tilespmem:$0xC080] =	vst v63  }
0x3e: {  	_ = 	snop  }
0x3f: {  	[tilespmem:s14], [sflag:$0x2] =	stream.indirect_vreg.gather [hbm4b:s5+s2], $0x80, v3, vm0, $0xb8;
	[tilespmem:$0xC080] =	vst v63  }
0x40: {  	_ = 	snop  }
0x41: {  	[tilespmem:s15], [sflag:$0x2] =	stream.indirect_vreg.gather [hbm4b:s6+s2], $0x80, v3, vm0, $0xb8;
	[tilespmem:$0xC080] =	vst v63  }
0x42: {  	v3 =	vld [tilespmem:$0x20];
	_ =	sdelay $0x4  }
0x43: {  	v62 =	vshrl.u32 v3, $0x3  }
0x44: {  	v4 =	vmul.u32 $0x30, v62  }
0x45: {  	v3 =	vand.u32 $0x7, v3  }
0x46: {  	v3 =	vor.u32 v3, v4  }
0x47: {  	v4 =	vperm.xlane v3, v0;
	_ =	sdelay $0x1  }
0x48: {  	v4 =	vadd.s32 v1, v4;
	_ =	sdelay $0x3  }
0x49: {  	v3 =	vperm.xlane v3, v2  }
0x4a: {  	[tilespmem:s16], [sflag:$0x3] =	stream.indirect_vreg.gather [hbm4b:s3+s2], $0x80, v4, vm0, $0xb8;
	[tilespmem:$0xC080] =	vst v63  }
0x4b: {  	v3 =	vadd.s32 v1, v3  }
0x4c: {  	[tilespmem:s17], [sflag:$0x3] =	stream.indirect_vreg.gather [hbm4b:s5+s2], $0x80, v4, vm0, $0xb8;
	[tilespmem:$0xC080] =	vst v63  }
0x4d: {  	_ = 	snop  }
0x4e: {  	[tilespmem:s18], [sflag:$0x3] =	stream.indirect_vreg.gather [hbm4b:s6+s2], $0x80, v4, vm0, $0xb8;
	[tilespmem:$0xC080] =	vst v63  }
0x4f: {  	_ = 	snop  }
0x50: {  	[tilespmem:s19], [sflag:$0x3] =	stream.indirect_vreg.gather [hbm4b:s3+s2], $0x80, v3, vm0, $0xb8;
	[tilespmem:$0xC080] =	vst v63  }
0x51: {  	_ = 	snop  }
0x52: {  	[tilespmem:s20], [sflag:$0x3] =	stream.indirect_vreg.gather [hbm4b:s5+s2], $0x80, v3, vm0, $0xb8;
	[tilespmem:$0xC080] =	vst v63  }
0x53: {  	_ = 	snop  }
0x54: {  	[tilespmem:s21], [sflag:$0x3] =	stream.indirect_vreg.gather [hbm4b:s6+s2], $0x80, v3, vm0, $0xb8;
	[tilespmem:$0xC080] =	vst v63  }
0x55: {  	v3 =	vld [tilespmem:$0x30];
	_ =	sdelay $0x4  }
0x56: {  	v63 =	vshrl.u32 v3, $0x3  }
0x57: {  	v4 =	vmul.u32 $0x30, v63  }
0x58: {  	v3 =	vand.u32 $0x7, v3  }
0x59: {  	v3 =	vor.u32 v3, v4  }
0x5a: {  	v4 =	vperm.xlane v3, v0;
	_ =	sdelay $0x1  }
0x5b: {  	v4 =	vadd.s32 v1, v4;
	_ =	sdelay $0x3  }
0x5c: {  	v3 =	vperm.xlane v3, v2  }
0x5d: {  	[tilespmem:s22], [sflag:$0x4] =	stream.indirect_vreg.gather [hbm4b:s3+s2], $0x80, v4, vm0, $0xb8;
	[tilespmem:$0xC080] =	vst v63  }
0x5e: {  	v3 =	vadd.s32 v1, v3  }
0x5f: {  	[tilespmem:s23], [sflag:$0x4] =	stream.indirect_vreg.gather [hbm4b:s5+s2], $0x80, v4, vm0, $0xb8;
	[tilespmem:$0xC080] =	vst v63  }
0x60: {  	_ = 	snop  }
0x61: {  	[tilespmem:s24], [sflag:$0x4] =	stream.indirect_vreg.gather [hbm4b:s6+s2], $0x80, v4, vm0, $0xb8;
	[tilespmem:$0xC080] =	vst v63  }
0x62: {  	_ = 	snop  }
0x63: {  	[tilespmem:s25], [sflag:$0x4] =	stream.indirect_vreg.gather [hbm4b:s3+s2], $0x80, v3, vm0, $0xb8;
	[tilespmem:$0xC080] =	vst v63  }
0x64: {  	_ = 	snop  }
0x65: {  	[tilespmem:s26], [sflag:$0x4] =	stream.indirect_vreg.gather [hbm4b:s5+s2], $0x80, v3, vm0, $0xb8;
	[tilespmem:$0xC080] =	vst v63  }
0x66: {  	_ = 	snop  }
0x67: {  	[tilespmem:s28], [sflag:$0x4] =	stream.indirect_vreg.gather [hbm4b:s6+s2], $0x80, v3, vm0, $0xb8;
	[tilespmem:$0xC080] =	vst v63  }
0x68: {  	_ =	swait.ge [sflag:s29], $0x3000  }
0x69: {  	[sflag:s29] =	ssyncset.done $0x0  }
0x6a: {  	[sflag:s29] =	ssyncadd.s32 $0xFFFFD000  }
0x6b: {  	[hbm4b:s4+s2] =	stream.linear.scatter [tilespmem:s9], [sflag:$0x1], $0x3000, $0x38;
	[tilespmem:$0xC080] =	vst v63  }
0x6c: {  	_ =	swait.ge [sflag:s30], $0x3000  }
0x6d: {  	[sflag:s30] =	ssyncset.done $0x0  }
0x6e: {  	s11 =	rddreg [dreg:$0x4];
	[sflag:s30] =	ssyncadd.s32 $0xFFFFD000  }
0x6f: {  	[hbm4b:s11+s2] =	stream.linear.scatter [tilespmem:s10], [sflag:$0x2], $0x3000, $0x38;
	[tilespmem:$0xC080] =	vst v63  }
0x70: {  	_ =	swait.ge [sflag:s31], $0x3000  }
0x71: {  	[sflag:s31] =	ssyncset.done $0x0  }
0x72: {  	s11 =	rddreg [dreg:$0x5];
	[sflag:s31] =	ssyncadd.s32 $0xFFFFD000  }
0x73: {  	[hbm4b:s11+s2] =	stream.linear.scatter [tilespmem:s16], [sflag:$0x3], $0x3000, $0x38;
	[tilespmem:$0xC080] =	vst v63  }
0x74: {  	_ =	swait.ge [sflag:s1], $0x3000  }
0x75: {  	[sflag:s1] =	ssyncset.done $0x0  }
0x76: {  	s11 =	rddreg [dreg:$0x6];
	[sflag:s1] =	ssyncadd.s32 $0xFFFFD000  }
0x77: {  	[hbm4b:s11+s2] =	stream.linear.scatter [tilespmem:s22], [sflag:$0x4], $0x3000, $0x38;
	[tilespmem:$0xC080] =	vst v63  }
0x78: {  	_ =	swait.ge [sflag:s29], $0x3000  }
0x79: {  	[sflag:s29] =	ssyncset.done $0x0  }
0x7a: {  	[sflag:s29] =	ssyncadd.s32 $0xFFFFD000  }
0x7b: {  	_ =	swait.ge [sflag:s30], $0x3000  }
0x7c: {  	[sflag:s30] =	ssyncset.done $0x0  }
0x7d: {  	[sflag:s30] =	ssyncadd.s32 $0xFFFFD000  }
0x7e: {  	p0 =	sne.s32 s7, $0x1;
	_ =	swait.ge [sflag:s31], $0x3000  }
.Ltmp0:
0x7f: {  	[sflag:s31] =	ssyncset.done $0x0;
	(pc) =	sbr.rel @p0 .LBB2_1-.Ltmp0, $4  }
0x80: {  	[sflag:s31] =	ssyncadd.s32 $0xFFFFD000  }
0x81: {  	_ =	swait.ge [sflag:s1], $0x3000  }
0x82: {  	[sflag:s1] =	ssyncset.done $0x0  }
0x83: {  	s7 =	sadd.s32 $0xFFFFFFFF, s7;
	[sflag:s1] =	ssyncadd.s32 $0xFFFFD000  }
0x84: {  	_ =	sfence.sel $0x180000  }
0x85: {  	[bflag:$0x0] =	sbarrier.arrive $0xFFFF  }
0x86: {  	_ =	strace $0x9000004A  }
0x87: {  	s0 =	stileid.u32;
	[bflag:$0x2] =	sbarrier.arrive $0xFFFF  }
0x88: {  	p0 =	sne.s32 s0, $0x0;
	s0 =	rddreg [dreg:$0x2]  }
0x89: {  	s0 =	sadd.s32 @!p0 $0x100000, s0  }
0x8a: {  	[sflag:s0] =	ssyncadd.tile.s32 @!p0 $0x1;
	_ =	shalt  }
.Lfunc_end2:
_tile_overlayer_lowered:
.L_overlay_start_2:
0x8b: {  	(tag) =	ssettag $0x2  }
0x8c: {  	s0 =	rddreg [dreg:$0x0];
	s2 =	stileid.u32  }
0x8d: {  	s1 =	rddreg [dreg:$0x1];
	p0 =	sne.s32 s2, $0x0  }
0x8e: {  	s3 =	rddreg [dreg:$0x2];
	[bflag:$0x3] =	sbarrier.arrive $0xFFFF;
	s2 =	simm.s32 @!p0 $0x1C05  }
0x8f: {  	[timem:s3], [sflag:s2] =	dma.local @!p0 [hbm:s0], s1  }
0x90: {  	s0 =	simm.s32 @!p0 $0x5  }
0x91: {  	_ =	swait.ge @!p0 [sflag:s0], s1  }
0x92: {  	s1 =	ssub.s32 @!p0 $0x0, s1;
	[sflag:s0] =	ssyncset.done @!p0 $0x0  }
0x93: {  	[sflag:s0] =	ssyncadd.s32 @!p0 s1  }
0x94: {  	[bflag:$0x3] =	sbarrier.arrive $0xFFFF  }
0x95: {  	_ =	shalt  }

</sc_bundles>
